<compile_context>
chip_gen: v7x
topology: tpu7x:2x2x1
jax: 0.10.2.dev20260603
libtpu: 0.0.44.dev20260713+nightly
codegen_flags: <defaults>
</compile_context>

<pallas_src>
import functools
import math

import jax
import jax.numpy as jnp
from jax import lax
from jax.experimental import pallas as pl
from jax.experimental.pallas import tpu as pltpu
from jax.experimental.pallas import tpu_sc as plsc

_N = 10000
_DH = 128
_HD = 64
_E = 320000
_G = 64
_C = 10
_BN_EPS = 1e-5
_INV_BN = 1.0 / math.sqrt(1.0 + _BN_EPS)

_NC = 2
_NS = 16
_CHUNK = 128
_CPW = 160
_EPAD = _NS * _CPW * _CHUNK
_NPAD = 10112
_RPT = _NPAD // _NS

_RB = 1000


@functools.partial(
    pl.kernel,
    out_type=jax.ShapeDtypeStruct((_NC, _NPAD, _HD), jnp.bfloat16),
    mesh=plsc.VectorSubcoreMesh(core_axis_name="c", subcore_axis_name="s",
                                num_cores=_NC, num_subcores=_NS),
    compiler_params=pltpu.CompilerParams(use_tc_tiling_on_sc=False),
    scratch_types=[
        pltpu.VMEM((_CPW, _CHUNK), jnp.int32),
        pltpu.VMEM((_CPW, _CHUNK), jnp.int32),
        pltpu.VMEM((_CHUNK, _HD), jnp.bfloat16),
        pltpu.VMEM((_CHUNK, _HD), jnp.bfloat16),
        pltpu.VMEM_SHARED((_NPAD, _HD), jnp.bfloat16),
        pltpu.SemaphoreType.DMA,
        pltpu.SemaphoreType.DMA,
    ],
)
def _sc_agg(h2_hbm, src_hbm, dst_hbm, zeros_hbm, out_hbm,
            src_v, dst_v, rows0, rows1, acc_sh, sem0, sem1):
    c = lax.axis_index("c")
    s = lax.axis_index("s")
    h_view = h2_hbm.at[c]

    pltpu.sync_copy(src_hbm.at[s], src_v)
    pltpu.sync_copy(dst_hbm.at[s], dst_v)
    pltpu.async_copy(h_view.at[src_v.at[0]], rows0, sem0)
    pltpu.async_copy(h_view.at[src_v.at[1]], rows1, sem1)
    pltpu.sync_copy(zeros_hbm, acc_sh.at[pl.ds(s * _RPT, _RPT)])
    plsc.subcore_barrier()

    def body(j, carry):
        i0 = j * 2
        pltpu.make_async_copy(h_view.at[src_v.at[i0]], rows0, sem0).wait()
        pltpu.sync_copy(rows0, acc_sh.at[dst_v.at[i0]], add=True)

        @pl.when(i0 + 2 < _CPW)
        def _():
            pltpu.async_copy(h_view.at[src_v.at[i0 + 2]], rows0, sem0)

        i1 = i0 + 1
        pltpu.make_async_copy(h_view.at[src_v.at[i1]], rows1, sem1).wait()
        pltpu.sync_copy(rows1, acc_sh.at[dst_v.at[i1]], add=True)

        @pl.when(i1 + 2 < _CPW)
        def _():
            pltpu.async_copy(h_view.at[src_v.at[i1 + 2]], rows1, sem1)

        return carry

    lax.fori_loop(0, _CPW // 2, body, 0)
    plsc.subcore_barrier()
    pltpu.sync_copy(acc_sh.at[pl.ds(s * _RPT, _RPT)],
                    out_hbm.at[c, pl.ds(s * _RPT, _RPT)])


def _mlp_body(h_ref, p_ref, sc_ref, w1_ref, b1_ref, w2_ref, b2_ref,
              gm_ref, bt_ref, out_ref, outb_ref):
    h = jnp.concatenate([h_ref[0], h_ref[1]], axis=-1)
    agg = jnp.concatenate([p_ref[0], p_ref[1]], axis=-1).astype(jnp.float32)
    z = h * sc_ref[...] + agg
    a = jnp.dot(z, w1_ref[...], preferred_element_type=jnp.float32)
    a = jnp.maximum(a + b1_ref[...], 0.0)
    a = jnp.dot(a, w2_ref[...], preferred_element_type=jnp.float32)
    a = jnp.maximum(a + b2_ref[...], 0.0)
    y = a * gm_ref[...] + bt_ref[...]
    out_ref[0] = y[:, :_HD]
    out_ref[1] = y[:, _HD:]
    yb = y.astype(jnp.bfloat16)
    outb_ref[0] = yb[:, :_HD]
    outb_ref[1] = yb[:, _HD:]


def _tc_mlp(h2, parts, scale_row, w1, b1r, w2, b2r, gmr, btr):
    fix = lambda i: (0, 0)
    return pl.pallas_call(
        _mlp_body,
        grid=(_N // _RB,),
        in_specs=[
            pl.BlockSpec((_NC, _RB, _HD), lambda i: (0, i, 0)),
            pl.BlockSpec((_NC, _RB, _HD), lambda i: (0, i, 0)),
            pl.BlockSpec((1, _DH), fix),
            pl.BlockSpec((_DH, _DH), fix),
            pl.BlockSpec((1, _DH), fix),
            pl.BlockSpec((_DH, _DH), fix),
            pl.BlockSpec((1, _DH), fix),
            pl.BlockSpec((1, _DH), fix),
            pl.BlockSpec((1, _DH), fix),
        ],
        out_specs=(
            pl.BlockSpec((_NC, _RB, _HD), lambda i: (0, i, 0)),
            pl.BlockSpec((_NC, _RB, _HD), lambda i: (0, i, 0)),
        ),
        out_shape=(
            jax.ShapeDtypeStruct((_NC, _N, _HD), jnp.float32),
            jax.ShapeDtypeStruct((_NC, _N, _HD), jnp.bfloat16),
        ),
    )(h2, parts, scale_row, w1, b1r, w2, b2r, gmr, btr)


def _head_body(h_ref, b_ref, w1_ref, b1_ref, w2_ref, b2_ref, out_ref,
               acc_ref, cnt_ref):
    step = pl.program_id(0)

    @pl.when(step == 0)
    def _():
        acc_ref[...] = jnp.zeros_like(acc_ref)
        cnt_ref[...] = jnp.zeros_like(cnt_ref)

    h = jnp.concatenate([h_ref[0], h_ref[1]], axis=-1)
    bids = b_ref[0, 0, :]
    onehot = (bids[:, None] == lax.broadcasted_iota(jnp.int32, (_RB, _G), 1))
    onehot = onehot.astype(jnp.float32)
    dn = (((0,), (0,)), ((), ()))
    acc_ref[...] += lax.dot_general(onehot, h, dn,
                                    preferred_element_type=jnp.float32)
    cnt_ref[...] += lax.dot_general(
        onehot, jnp.ones((_RB, _DH), jnp.float32), dn,
        preferred_element_type=jnp.float32)

    @pl.when(step == pl.num_programs(0) - 1)
    def _():
        pooled = acc_ref[...] / jnp.maximum(cnt_ref[...], 1.0)
        o = jnp.dot(pooled, w1_ref[...], preferred_element_type=jnp.float32)
        o = jnp.maximum(o + b1_ref[...], 0.0)
        o = jnp.dot(o, w2_ref[...], preferred_element_type=jnp.float32)
        o = o + b2_ref[...]
        m = jnp.max(o, axis=-1, keepdims=True)
        lse = jnp.log(jnp.sum(jnp.exp(o - m), axis=-1, keepdims=True)) + m
        out_ref[...] = o - lse


def _tc_head(h2, batch3d, w1, b1r, w2, b2r):
    fix = lambda i: (0, 0)
    return pl.pallas_call(
        _head_body,
        grid=(_N // _RB,),
        in_specs=[
            pl.BlockSpec((_NC, _RB, _HD), lambda i: (0, i, 0)),
            pl.BlockSpec((1, 1, _RB), lambda i: (i, 0, 0)),
            pl.BlockSpec((_DH, _DH), fix),
            pl.BlockSpec((1, _DH), fix),
            pl.BlockSpec((_DH, _C), fix),
            pl.BlockSpec((1, _C), fix),
        ],
        out_specs=pl.BlockSpec((_G, _C), fix),
        out_shape=jax.ShapeDtypeStruct((_G, _C), jnp.float32),
        scratch_shapes=[
            pltpu.VMEM((_G, _DH), jnp.float32),
            pltpu.VMEM((_G, _DH), jnp.float32),
        ],
    )(h2, batch3d, w1, b1r, w2, b2r)


def kernel(x, edge_index, batch, params):
    src = edge_index[0].astype(jnp.int32)
    dst = edge_index[1].astype(jnp.int32)
    pad = _EPAD - _E
    src_p = jnp.concatenate([src, jnp.zeros((pad,), jnp.int32)])
    src_p = src_p.reshape(_NS, _CPW, _CHUNK)
    dst_p = jnp.concatenate([dst, jnp.full((pad,), _N, jnp.int32)])
    dst_p = dst_p.reshape(_NS, _CPW, _CHUNK)
    zeros_rows = jnp.zeros((_RPT, _HD), jnp.bfloat16)
    batch3d = batch.astype(jnp.int32).reshape(_N // _RB, 1, _RB)

    h2 = jnp.stack([x[:, :_HD], x[:, _HD:]])
    h2b = h2.astype(jnp.bfloat16)
    for p in params["convs"]:
        parts = _sc_agg(h2b, src_p, dst_p, zeros_rows)
        scale_row = (1.0 + p["eps"]) * jnp.ones((1, _DH), jnp.float32)
        h2, h2b = _tc_mlp(h2, parts, scale_row,
                          p["W1"], p["b1"].reshape(1, _DH),
                          p["W2"], p["b2"].reshape(1, _DH),
                          (p["gamma"] * _INV_BN).reshape(1, _DH),
                          p["beta"].reshape(1, _DH))

    return _tc_head(h2, batch3d,
                    params["lin1_W"], params["lin1_b"].reshape(1, _DH),
                    params["lin2_W"], params["lin2_b"].reshape(1, _C))

# --- scband reference (transcript-rebuilt; emitter-appended) ---
"""Pipeline reference for scband-gin-43834436223109 (READ-ONLY COPY).

The authoritative reference and input builder live on the scoring server;
editing this copy changes nothing except your own understanding.
"""

import jax, jax.numpy as jnp
import numpy as np

N = 10000
E = 320000
D = 128
H = 128
C = 10
G = 64
NUM_LAYERS = 3
BN_EPS = 1e-5


def _make_conv_params(key, in_dim, hidden):
    k1, k2, k3 = jax.random.split(key, 3)
    return {
        "W1": jax.random.normal(k1, (in_dim, hidden), dtype=jnp.float32) * 0.05,
        "b1": jnp.zeros((hidden,), dtype=jnp.float32),
        "W2": jax.random.normal(k2, (hidden, hidden), dtype=jnp.float32) * 0.05,
        "b2": jnp.zeros((hidden,), dtype=jnp.float32),
        "gamma": jnp.ones((hidden,), dtype=jnp.float32),
        "beta": jnp.zeros((hidden,), dtype=jnp.float32),
        "eps": jnp.zeros((), dtype=jnp.float32),  # train_eps=True, init 0
    }


def setup_inputs(seed: int = 0) -> dict:
    key = jax.random.key(seed)
    ks = jax.random.split(key, 8)
    x = jax.random.normal(ks[0], (N, D), dtype=jnp.float32)
    edge_index = jax.random.randint(ks[1], (2, E), 0, N, dtype=jnp.int64)
    batch = jnp.sort(jax.random.randint(ks[2], (N,), 0, G, dtype=jnp.int64))
    conv_keys = jax.random.split(ks[3], NUM_LAYERS)
    convs = [_make_conv_params(conv_keys[0], D, H)]
    for i in range(1, NUM_LAYERS):
        convs.append(_make_conv_params(conv_keys[i], H, H))
    params = {
        "convs": convs,
        "lin1_W": jax.random.normal(ks[4], (H, H), dtype=jnp.float32) * 0.05,
        "lin1_b": jnp.zeros((H,), dtype=jnp.float32),
        "lin2_W": jax.random.normal(ks[5], (H, C), dtype=jnp.float32) * 0.05,
        "lin2_b": jnp.zeros((C,), dtype=jnp.float32),
    }
    return {"x": x, "edge_index": edge_index, "batch": batch, "params": params}


def _gin_conv(h, edge_index, p):
    src = edge_index[0]
    dst = edge_index[1]
    # sum aggregation of neighbor messages (gather + scatter-add)
    agg = jax.ops.segment_sum(h[src], dst, num_segments=h.shape[0])
    out = (1.0 + p["eps"]) * h + agg
    # MLP: Linear -> ReLU -> Linear -> ReLU -> BatchNorm (eval: running mean 0, var 1)
    out = jax.nn.relu(out @ p["W1"] + p["b1"])
    out = jax.nn.relu(out @ p["W2"] + p["b2"])
    out = p["gamma"] * (out / jnp.sqrt(1.0 + BN_EPS)) + p["beta"]
    return out


def reference(x, edge_index, batch, params):
    h = x
    for p in params["convs"]:
        h = _gin_conv(h, edge_index, p)
    # global_mean_pool over graph ids
    sums = jax.ops.segment_sum(h, batch, num_segments=G)
    counts = jax.ops.segment_sum(jnp.ones((h.shape[0],), dtype=h.dtype), batch, num_segments=G)
    pooled = sums / jnp.maximum(counts, 1.0)[:, None]
    o = jax.nn.relu(pooled @ params["lin1_W"] + params["lin1_b"])
    # dropout inactive in eval mode
    o = o @ params["lin2_W"] + params["lin2_b"]
    return jax.nn.log_softmax(o, axis=-1)

if __name__ == "__main__":
    import jax
    _d = setup_inputs()
    print(jax.jit(kernel)(*tuple(_d.values())))

</pallas_src>

<mosaic_0001>
#map = affine_map<(d0, d1) -> (0, 0, 0)>
#map1 = affine_map<(d0, d1) -> (0, 0)>
module attributes {stable_mosaic.version = 14 : i64} {
  func.func @_sc_agg(%arg0: i32, %arg1: i32, %arg2: memref<2x10000x64xbf16, #tpu.memory_space<hbm>>, %arg3: memref<16x160x128xi32, #tpu.memory_space<hbm>>, %arg4: memref<16x160x128xi32, #tpu.memory_space<hbm>>, %arg5: memref<632x64xbf16, #tpu.memory_space<hbm>>, %arg6: memref<2x10112x64xbf16, #tpu.memory_space<hbm>>, %arg7: memref<160x128xi32, #tpu.memory_space<vmem>>, %arg8: memref<160x128xi32, #tpu.memory_space<vmem>>, %arg9: memref<128x64xbf16, #tpu.memory_space<vmem>>, %arg10: memref<128x64xbf16, #tpu.memory_space<vmem>>, %arg11: memref<10112x64xbf16, #tpu.memory_space<vmem_shared>>, %arg12: memref<!tpu.dma_semaphore, #tpu.memory_space<semaphore_mem>>, %arg13: memref<!tpu.dma_semaphore, #tpu.memory_space<semaphore_mem>>) attributes {dimension_semantics = [#tpu.dimension_semantics<core_parallel>, #tpu.dimension_semantics<subcore_parallel>], iteration_bounds = array<i64: 2, 16>, scalar_prefetch = 0 : i64, scratch_operands = 7 : i64, tpu.core_type = #tpu.core_type<sc_vector_subcore>, window_params = [{transform_indices = #map}, {transform_indices = #map}, {transform_indices = #map}, {transform_indices = #map1}, {transform_indices = #map}]} {
    "tpu.region"() ({
      %run_scoped3A = tpu.sem_alloc : memref<!tpu.dma_semaphore, #tpu.memory_space<semaphore_mem>>
      %dma_start3A_32 = arith.constant 0 : i32
      %dma_start3A_33 = arith.constant 0 : i32
      %dma_start3A_34 = tpu.memref_slice %arg3[%arg1, %dma_start3A_32, %dma_start3A_33] : memref<16x160x128xi32, #tpu.memory_space<hbm>> -> memref<1x160x128xi32, #tpu.memory_space<hbm>>
      %dma_start3A_35 = tpu.memref_squeeze %dma_start3A_34 : memref<1x160x128xi32, #tpu.memory_space<hbm>> -> memref<160x128xi32, #tpu.memory_space<hbm>>
      %dma_start3A_36 = arith.constant 0 : i32
      %dma_start3A_37 = arith.constant 0 : i32
      %dma_start3A_38 = tpu.memref_slice %arg3[%arg1, %dma_start3A_36, %dma_start3A_37] : memref<16x160x128xi32, #tpu.memory_space<hbm>> -> memref<1x160x128xi32, #tpu.memory_space<hbm>>
      %dma_start3A_39 = tpu.memref_squeeze %dma_start3A_38 : memref<1x160x128xi32, #tpu.memory_space<hbm>> -> memref<160x128xi32, #tpu.memory_space<hbm>>
      tpu.enqueue_dma source(%dma_start3A_39 : memref<160x128xi32, #tpu.memory_space<hbm>>) target(%arg7 : memref<160x128xi32, #tpu.memory_space<vmem>>) target_semaphore(%run_scoped3A : memref<!tpu.dma_semaphore, #tpu.memory_space<semaphore_mem>>)
      %dma_wait3A = arith.constant 0 : i32
      %dma_wait3A_40 = arith.constant 0 : i32
      %dma_wait3A_41 = tpu.memref_slice %arg3[%arg1, %dma_wait3A, %dma_wait3A_40] : memref<16x160x128xi32, #tpu.memory_space<hbm>> -> memref<1x160x128xi32, #tpu.memory_space<hbm>>
      %dma_wait3A_42 = tpu.memref_squeeze %dma_wait3A_41 : memref<1x160x128xi32, #tpu.memory_space<hbm>> -> memref<160x128xi32, #tpu.memory_space<hbm>>
      %dma_wait3A_43 = arith.constant 0 : i32
      %dma_wait3A_44 = arith.constant 0 : i32
      %dma_wait3A_45 = tpu.memref_slice %arg3[%arg1, %dma_wait3A_43, %dma_wait3A_44] : memref<16x160x128xi32, #tpu.memory_space<hbm>> -> memref<1x160x128xi32, #tpu.memory_space<hbm>>
      %dma_wait3A_46 = tpu.memref_squeeze %dma_wait3A_45 : memref<1x160x128xi32, #tpu.memory_space<hbm>> -> memref<160x128xi32, #tpu.memory_space<hbm>>
      tpu.wait_dma2 semaphore(%run_scoped3A : memref<!tpu.dma_semaphore, #tpu.memory_space<semaphore_mem>>) src(%dma_wait3A_46 : memref<160x128xi32, #tpu.memory_space<hbm>>) dst(%arg7 : memref<160x128xi32, #tpu.memory_space<vmem>>)
      tpu.yield
    }) : () -> ()
    "tpu.region"() ({
      %run_scoped3A = tpu.sem_alloc : memref<!tpu.dma_semaphore, #tpu.memory_space<semaphore_mem>>
      %dma_start3A_32 = arith.constant 0 : i32
      %dma_start3A_33 = arith.constant 0 : i32
      %dma_start3A_34 = tpu.memref_slice %arg4[%arg1, %dma_start3A_32, %dma_start3A_33] : memref<16x160x128xi32, #tpu.memory_space<hbm>> -> memref<1x160x128xi32, #tpu.memory_space<hbm>>
      %dma_start3A_35 = tpu.memref_squeeze %dma_start3A_34 : memref<1x160x128xi32, #tpu.memory_space<hbm>> -> memref<160x128xi32, #tpu.memory_space<hbm>>
      %dma_start3A_36 = arith.constant 0 : i32
      %dma_start3A_37 = arith.constant 0 : i32
      %dma_start3A_38 = tpu.memref_slice %arg4[%arg1, %dma_start3A_36, %dma_start3A_37] : memref<16x160x128xi32, #tpu.memory_space<hbm>> -> memref<1x160x128xi32, #tpu.memory_space<hbm>>
      %dma_start3A_39 = tpu.memref_squeeze %dma_start3A_38 : memref<1x160x128xi32, #tpu.memory_space<hbm>> -> memref<160x128xi32, #tpu.memory_space<hbm>>
      tpu.enqueue_dma source(%dma_start3A_39 : memref<160x128xi32, #tpu.memory_space<hbm>>) target(%arg8 : memref<160x128xi32, #tpu.memory_space<vmem>>) target_semaphore(%run_scoped3A : memref<!tpu.dma_semaphore, #tpu.memory_space<semaphore_mem>>)
      %dma_wait3A = arith.constant 0 : i32
      %dma_wait3A_40 = arith.constant 0 : i32
      %dma_wait3A_41 = tpu.memref_slice %arg4[%arg1, %dma_wait3A, %dma_wait3A_40] : memref<16x160x128xi32, #tpu.memory_space<hbm>> -> memref<1x160x128xi32, #tpu.memory_space<hbm>>
      %dma_wait3A_42 = tpu.memref_squeeze %dma_wait3A_41 : memref<1x160x128xi32, #tpu.memory_space<hbm>> -> memref<160x128xi32, #tpu.memory_space<hbm>>
      %dma_wait3A_43 = arith.constant 0 : i32
      %dma_wait3A_44 = arith.constant 0 : i32
      %dma_wait3A_45 = tpu.memref_slice %arg4[%arg1, %dma_wait3A_43, %dma_wait3A_44] : memref<16x160x128xi32, #tpu.memory_space<hbm>> -> memref<1x160x128xi32, #tpu.memory_space<hbm>>
      %dma_wait3A_46 = tpu.memref_squeeze %dma_wait3A_45 : memref<1x160x128xi32, #tpu.memory_space<hbm>> -> memref<160x128xi32, #tpu.memory_space<hbm>>
      tpu.wait_dma2 semaphore(%run_scoped3A : memref<!tpu.dma_semaphore, #tpu.memory_space<semaphore_mem>>) src(%dma_wait3A_46 : memref<160x128xi32, #tpu.memory_space<hbm>>) dst(%arg8 : memref<160x128xi32, #tpu.memory_space<vmem>>)
      tpu.yield
    }) : () -> ()
    %dma_start3A = arith.constant 0 : i32
    %dma_start3A_0 = arith.constant 0 : i32
    %dma_start3A_1 = tpu.memref_slice %arg7[%dma_start3A, %dma_start3A_0] : memref<160x128xi32, #tpu.memory_space<vmem>> -> memref<1x128xi32, #tpu.memory_space<vmem>>
    %dma_start3A_2 = tpu.memref_squeeze %dma_start3A_1 : memref<1x128xi32, #tpu.memory_space<vmem>> -> memref<128xi32, #tpu.memory_space<vmem>>
    %dma_start3A_3 = arith.constant 0 : i32
    %dma_start3A_4 = arith.constant 0 : i32
    %dma_start3A_5 = tpu.memref_slice %arg2[%arg0, %dma_start3A_3, %dma_start3A_4] : memref<2x10000x64xbf16, #tpu.memory_space<hbm>> -> memref<1x10000x64xbf16, #tpu.memory_space<hbm>>
    %dma_start3A_6 = tpu.memref_squeeze %dma_start3A_5 : memref<1x10000x64xbf16, #tpu.memory_space<hbm>> -> memref<10000x64xbf16, #tpu.memory_space<hbm>>
    %dma_start3A_7 = arith.constant 0 : i32
    %dma_start3A_8 = arith.constant 0 : i32
    %dma_start3A_9 = tpu.memref_slice %dma_start3A_6[%dma_start3A_7, %dma_start3A_8] : memref<10000x64xbf16, #tpu.memory_space<hbm>> -> memref<10000x64xbf16, #tpu.memory_space<hbm>>
    tpu.enqueue_indirect_dma source(%dma_start3A_9 : memref<10000x64xbf16, #tpu.memory_space<hbm>>) target(%arg9 : memref<128x64xbf16, #tpu.memory_space<vmem>>) offsets(%dma_start3A_2 : memref<128xi32, #tpu.memory_space<vmem>>) semaphore(%arg12 : memref<!tpu.dma_semaphore, #tpu.memory_space<semaphore_mem>>)
    %dma_start3A_10 = arith.constant 1 : i32
    %dma_start3A_11 = arith.constant 0 : i32
    %dma_start3A_12 = tpu.memref_slice %arg7[%dma_start3A_10, %dma_start3A_11] : memref<160x128xi32, #tpu.memory_space<vmem>> -> memref<1x128xi32, #tpu.memory_space<vmem>>
    %dma_start3A_13 = tpu.memref_squeeze %dma_start3A_12 : memref<1x128xi32, #tpu.memory_space<vmem>> -> memref<128xi32, #tpu.memory_space<vmem>>
    %dma_start3A_14 = arith.constant 0 : i32
    %dma_start3A_15 = arith.constant 0 : i32
    %dma_start3A_16 = tpu.memref_slice %arg2[%arg0, %dma_start3A_14, %dma_start3A_15] : memref<2x10000x64xbf16, #tpu.memory_space<hbm>> -> memref<1x10000x64xbf16, #tpu.memory_space<hbm>>
    %dma_start3A_17 = tpu.memref_squeeze %dma_start3A_16 : memref<1x10000x64xbf16, #tpu.memory_space<hbm>> -> memref<10000x64xbf16, #tpu.memory_space<hbm>>
    %dma_start3A_18 = arith.constant 0 : i32
    %dma_start3A_19 = arith.constant 0 : i32
    %dma_start3A_20 = tpu.memref_slice %dma_start3A_17[%dma_start3A_18, %dma_start3A_19] : memref<10000x64xbf16, #tpu.memory_space<hbm>> -> memref<10000x64xbf16, #tpu.memory_space<hbm>>
    tpu.enqueue_indirect_dma source(%dma_start3A_20 : memref<10000x64xbf16, #tpu.memory_space<hbm>>) target(%arg10 : memref<128x64xbf16, #tpu.memory_space<vmem>>) offsets(%dma_start3A_13 : memref<128xi32, #tpu.memory_space<vmem>>) semaphore(%arg13 : memref<!tpu.dma_semaphore, #tpu.memory_space<semaphore_mem>>)
    %mul3A = arith.constant 632 : i32
    %mul3A_21 = arith.muli %arg1, %mul3A : i32
    "tpu.region"() ({
      %run_scoped3A = tpu.sem_alloc : memref<!tpu.dma_semaphore, #tpu.memory_space<semaphore_mem>>
      %dma_start3A_32 = arith.constant 0 : i32
      %dma_start3A_33 = tpu.memref_slice %arg11[%mul3A_21, %dma_start3A_32] : memref<10112x64xbf16, #tpu.memory_space<vmem_shared>> -> memref<632x64xbf16, #tpu.memory_space<vmem_shared>>
      tpu.enqueue_dma source(%arg5 : memref<632x64xbf16, #tpu.memory_space<hbm>>) target(%dma_start3A_33 : memref<632x64xbf16, #tpu.memory_space<vmem_shared>>) target_semaphore(%run_scoped3A : memref<!tpu.dma_semaphore, #tpu.memory_space<semaphore_mem>>)
      %dma_wait3A = arith.constant 0 : i32
      %dma_wait3A_34 = tpu.memref_slice %arg11[%mul3A_21, %dma_wait3A] : memref<10112x64xbf16, #tpu.memory_space<vmem_shared>> -> memref<632x64xbf16, #tpu.memory_space<vmem_shared>>
      tpu.wait_dma2 semaphore(%run_scoped3A : memref<!tpu.dma_semaphore, #tpu.memory_space<semaphore_mem>>) src(%arg5 : memref<632x64xbf16, #tpu.memory_space<hbm>>) dst(%dma_wait3A_34 : memref<632x64xbf16, #tpu.memory_space<vmem_shared>>)
      tpu.yield
    }) : () -> ()
    %barrier3A = arith.constant 0 : index
    tpu.barrier barrier_id(%barrier3A)
    %scan3A = arith.constant 0 : i32
    %scan3A_22 = arith.constant 0 : i32
    %scan3A_23 = arith.constant 80 : i32
    %scan3A_24 = arith.addi %scan3A_22, %scan3A_23 : i32
    %scan3A_25 = arith.constant 1 : i32
    scf.for %scan3A_32 = %scan3A_22 to %scan3A_24 step %scan3A_25  : i32 {
      %mul3A_33 = arith.constant 2 : i32
      %mul3A_34 = arith.muli %scan3A_32, %mul3A_33 : i32
      %dma_wait3A = arith.constant 0 : i32
      %dma_wait3A_35 = tpu.memref_slice %arg7[%mul3A_34, %dma_wait3A] : memref<160x128xi32, #tpu.memory_space<vmem>> -> memref<1x128xi32, #tpu.memory_space<vmem>>
      %dma_wait3A_36 = tpu.memref_squeeze %dma_wait3A_35 : memref<1x128xi32, #tpu.memory_space<vmem>> -> memref<128xi32, #tpu.memory_space<vmem>>
      %dma_wait3A_37 = arith.constant 0 : i32
      %dma_wait3A_38 = arith.constant 0 : i32
      %dma_wait3A_39 = tpu.memref_slice %arg2[%arg0, %dma_wait3A_37, %dma_wait3A_38] : memref<2x10000x64xbf16, #tpu.memory_space<hbm>> -> memref<1x10000x64xbf16, #tpu.memory_space<hbm>>
      %dma_wait3A_40 = tpu.memref_squeeze %dma_wait3A_39 : memref<1x10000x64xbf16, #tpu.memory_space<hbm>> -> memref<10000x64xbf16, #tpu.memory_space<hbm>>
      %dma_wait3A_41 = arith.constant 0 : i32
      %dma_wait3A_42 = arith.constant 0 : i32
      %dma_wait3A_43 = tpu.memref_slice %dma_wait3A_40[%dma_wait3A_41, %dma_wait3A_42] : memref<10000x64xbf16, #tpu.memory_space<hbm>> -> memref<10000x64xbf16, #tpu.memory_space<hbm>>
      tpu.wait_indirect_dma semaphore(%arg12 : memref<!tpu.dma_semaphore, #tpu.memory_space<semaphore_mem>>) src(%dma_wait3A_43 : memref<10000x64xbf16, #tpu.memory_space<hbm>>) dst(%arg9 : memref<128x64xbf16, #tpu.memory_space<vmem>>)
      "tpu.region"() ({
        %run_scoped3A = tpu.sem_alloc : memref<!tpu.dma_semaphore, #tpu.memory_space<semaphore_mem>>
        %dma_start3A_66 = arith.constant 0 : i32
        %dma_start3A_67 = tpu.memref_slice %arg8[%mul3A_34, %dma_start3A_66] : memref<160x128xi32, #tpu.memory_space<vmem>> -> memref<1x128xi32, #tpu.memory_space<vmem>>
        %dma_start3A_68 = tpu.memref_squeeze %dma_start3A_67 : memref<1x128xi32, #tpu.memory_space<vmem>> -> memref<128xi32, #tpu.memory_space<vmem>>
        %dma_start3A_69 = arith.constant 0 : i32
        %dma_start3A_70 = arith.constant 0 : i32
        %dma_start3A_71 = tpu.memref_slice %arg11[%dma_start3A_69, %dma_start3A_70] : memref<10112x64xbf16, #tpu.memory_space<vmem_shared>> -> memref<10112x64xbf16, #tpu.memory_space<vmem_shared>>
        tpu.enqueue_indirect_dma source(%arg9 : memref<128x64xbf16, #tpu.memory_space<vmem>>) target(%dma_start3A_71 : memref<10112x64xbf16, #tpu.memory_space<vmem_shared>>) offsets(%dma_start3A_68 : memref<128xi32, #tpu.memory_space<vmem>>) semaphore(%run_scoped3A : memref<!tpu.dma_semaphore, #tpu.memory_space<semaphore_mem>>) {add = true}
        %dma_wait3A_72 = arith.constant 0 : i32
        %dma_wait3A_73 = tpu.memref_slice %arg8[%mul3A_34, %dma_wait3A_72] : memref<160x128xi32, #tpu.memory_space<vmem>> -> memref<1x128xi32, #tpu.memory_space<vmem>>
        %dma_wait3A_74 = tpu.memref_squeeze %dma_wait3A_73 : memref<1x128xi32, #tpu.memory_space<vmem>> -> memref<128xi32, #tpu.memory_space<vmem>>
        %dma_wait3A_75 = arith.constant 0 : i32
        %dma_wait3A_76 = arith.constant 0 : i32
        %dma_wait3A_77 = tpu.memref_slice %arg11[%dma_wait3A_75, %dma_wait3A_76] : memref<10112x64xbf16, #tpu.memory_space<vmem_shared>> -> memref<10112x64xbf16, #tpu.memory_space<vmem_shared>>
        tpu.wait_indirect_dma semaphore(%run_scoped3A : memref<!tpu.dma_semaphore, #tpu.memory_space<semaphore_mem>>) src(%arg9 : memref<128x64xbf16, #tpu.memory_space<vmem>>) dst(%dma_wait3A_77 : memref<10112x64xbf16, #tpu.memory_space<vmem_shared>>)
        tpu.yield
      }) : () -> ()
      %add3A = arith.constant 2 : i32
      %add3A_44 = arith.addi %mul3A_34, %add3A : i32
      %lt3A = arith.constant 160 : i32
      %lt3A_45 = arith.cmpi slt, %add3A_44, %lt3A : i32
      %convert_element_type3A = arith.extui %lt3A_45 : i1 to i32
      %cond3A = arith.constant 0 : i32
      %cond3A_46 = arith.cmpi ne, %convert_element_type3A, %cond3A : i32
      scf.if %cond3A_46 {
        %add3A_66 = arith.constant 2 : i32
        %add3A_67 = arith.addi %mul3A_34, %add3A_66 : i32
        %dma_start3A_68 = arith.constant 0 : i32
        %dma_start3A_69 = tpu.memref_slice %arg7[%add3A_67, %dma_start3A_68] : memref<160x128xi32, #tpu.memory_space<vmem>> -> memref<1x128xi32, #tpu.memory_space<vmem>>
        %dma_start3A_70 = tpu.memref_squeeze %dma_start3A_69 : memref<1x128xi32, #tpu.memory_space<vmem>> -> memref<128xi32, #tpu.memory_space<vmem>>
        %dma_start3A_71 = arith.constant 0 : i32
        %dma_start3A_72 = arith.constant 0 : i32
        %dma_start3A_73 = tpu.memref_slice %arg2[%arg0, %dma_start3A_71, %dma_start3A_72] : memref<2x10000x64xbf16, #tpu.memory_space<hbm>> -> memref<1x10000x64xbf16, #tpu.memory_space<hbm>>
        %dma_start3A_74 = tpu.memref_squeeze %dma_start3A_73 : memref<1x10000x64xbf16, #tpu.memory_space<hbm>> -> memref<10000x64xbf16, #tpu.memory_space<hbm>>
        %dma_start3A_75 = arith.constant 0 : i32
        %dma_start3A_76 = arith.constant 0 : i32
        %dma_start3A_77 = tpu.memref_slice %dma_start3A_74[%dma_start3A_75, %dma_start3A_76] : memref<10000x64xbf16, #tpu.memory_space<hbm>> -> memref<10000x64xbf16, #tpu.memory_space<hbm>>
        tpu.enqueue_indirect_dma source(%dma_start3A_77 : memref<10000x64xbf16, #tpu.memory_space<hbm>>) target(%arg9 : memref<128x64xbf16, #tpu.memory_space<vmem>>) offsets(%dma_start3A_70 : memref<128xi32, #tpu.memory_space<vmem>>) semaphore(%arg12 : memref<!tpu.dma_semaphore, #tpu.memory_space<semaphore_mem>>)
      } else {
      }
      %add3A_47 = arith.constant 1 : i32
      %add3A_48 = arith.addi %mul3A_34, %add3A_47 : i32
      %dma_wait3A_49 = arith.constant 0 : i32
      %dma_wait3A_50 = tpu.memref_slice %arg7[%add3A_48, %dma_wait3A_49] : memref<160x128xi32, #tpu.memory_space<vmem>> -> memref<1x128xi32, #tpu.memory_space<vmem>>
      %dma_wait3A_51 = tpu.memref_squeeze %dma_wait3A_50 : memref<1x128xi32, #tpu.memory_space<vmem>> -> memref<128xi32, #tpu.memory_space<vmem>>
      %dma_wait3A_52 = arith.constant 0 : i32
      %dma_wait3A_53 = arith.constant 0 : i32
      %dma_wait3A_54 = tpu.memref_slice %arg2[%arg0, %dma_wait3A_52, %dma_wait3A_53] : memref<2x10000x64xbf16, #tpu.memory_space<hbm>> -> memref<1x10000x64xbf16, #tpu.memory_space<hbm>>
      %dma_wait3A_55 = tpu.memref_squeeze %dma_wait3A_54 : memref<1x10000x64xbf16, #tpu.memory_space<hbm>> -> memref<10000x64xbf16, #tpu.memory_space<hbm>>
      %dma_wait3A_56 = arith.constant 0 : i32
      %dma_wait3A_57 = arith.constant 0 : i32
      %dma_wait3A_58 = tpu.memref_slice %dma_wait3A_55[%dma_wait3A_56, %dma_wait3A_57] : memref<10000x64xbf16, #tpu.memory_space<hbm>> -> memref<10000x64xbf16, #tpu.memory_space<hbm>>
      tpu.wait_indirect_dma semaphore(%arg13 : memref<!tpu.dma_semaphore, #tpu.memory_space<semaphore_mem>>) src(%dma_wait3A_58 : memref<10000x64xbf16, #tpu.memory_space<hbm>>) dst(%arg10 : memref<128x64xbf16, #tpu.memory_space<vmem>>)
      "tpu.region"() ({
        %run_scoped3A = tpu.sem_alloc : memref<!tpu.dma_semaphore, #tpu.memory_space<semaphore_mem>>
        %dma_start3A_66 = arith.constant 0 : i32
        %dma_start3A_67 = tpu.memref_slice %arg8[%add3A_48, %dma_start3A_66] : memref<160x128xi32, #tpu.memory_space<vmem>> -> memref<1x128xi32, #tpu.memory_space<vmem>>
        %dma_start3A_68 = tpu.memref_squeeze %dma_start3A_67 : memref<1x128xi32, #tpu.memory_space<vmem>> -> memref<128xi32, #tpu.memory_space<vmem>>
        %dma_start3A_69 = arith.constant 0 : i32
        %dma_start3A_70 = arith.constant 0 : i32
        %dma_start3A_71 = tpu.memref_slice %arg11[%dma_start3A_69, %dma_start3A_70] : memref<10112x64xbf16, #tpu.memory_space<vmem_shared>> -> memref<10112x64xbf16, #tpu.memory_space<vmem_shared>>
        tpu.enqueue_indirect_dma source(%arg10 : memref<128x64xbf16, #tpu.memory_space<vmem>>) target(%dma_start3A_71 : memref<10112x64xbf16, #tpu.memory_space<vmem_shared>>) offsets(%dma_start3A_68 : memref<128xi32, #tpu.memory_space<vmem>>) semaphore(%run_scoped3A : memref<!tpu.dma_semaphore, #tpu.memory_space<semaphore_mem>>) {add = true}
        %dma_wait3A_72 = arith.constant 0 : i32
        %dma_wait3A_73 = tpu.memref_slice %arg8[%add3A_48, %dma_wait3A_72] : memref<160x128xi32, #tpu.memory_space<vmem>> -> memref<1x128xi32, #tpu.memory_space<vmem>>
        %dma_wait3A_74 = tpu.memref_squeeze %dma_wait3A_73 : memref<1x128xi32, #tpu.memory_space<vmem>> -> memref<128xi32, #tpu.memory_space<vmem>>
        %dma_wait3A_75 = arith.constant 0 : i32
        %dma_wait3A_76 = arith.constant 0 : i32
        %dma_wait3A_77 = tpu.memref_slice %arg11[%dma_wait3A_75, %dma_wait3A_76] : memref<10112x64xbf16, #tpu.memory_space<vmem_shared>> -> memref<10112x64xbf16, #tpu.memory_space<vmem_shared>>
        tpu.wait_indirect_dma semaphore(%run_scoped3A : memref<!tpu.dma_semaphore, #tpu.memory_space<semaphore_mem>>) src(%arg10 : memref<128x64xbf16, #tpu.memory_space<vmem>>) dst(%dma_wait3A_77 : memref<10112x64xbf16, #tpu.memory_space<vmem_shared>>)
        tpu.yield
      }) : () -> ()
      %add3A_59 = arith.constant 2 : i32
      %add3A_60 = arith.addi %add3A_48, %add3A_59 : i32
      %lt3A_61 = arith.constant 160 : i32
      %lt3A_62 = arith.cmpi slt, %add3A_60, %lt3A_61 : i32
      %convert_element_type3A_63 = arith.extui %lt3A_62 : i1 to i32
      %cond3A_64 = arith.constant 0 : i32
      %cond3A_65 = arith.cmpi ne, %convert_element_type3A_63, %cond3A_64 : i32
      scf.if %cond3A_65 {
        %add3A_66 = arith.constant 2 : i32
        %add3A_67 = arith.addi %add3A_48, %add3A_66 : i32
        %dma_start3A_68 = arith.constant 0 : i32
        %dma_start3A_69 = tpu.memref_slice %arg7[%add3A_67, %dma_start3A_68] : memref<160x128xi32, #tpu.memory_space<vmem>> -> memref<1x128xi32, #tpu.memory_space<vmem>>
        %dma_start3A_70 = tpu.memref_squeeze %dma_start3A_69 : memref<1x128xi32, #tpu.memory_space<vmem>> -> memref<128xi32, #tpu.memory_space<vmem>>
        %dma_start3A_71 = arith.constant 0 : i32
        %dma_start3A_72 = arith.constant 0 : i32
        %dma_start3A_73 = tpu.memref_slice %arg2[%arg0, %dma_start3A_71, %dma_start3A_72] : memref<2x10000x64xbf16, #tpu.memory_space<hbm>> -> memref<1x10000x64xbf16, #tpu.memory_space<hbm>>
        %dma_start3A_74 = tpu.memref_squeeze %dma_start3A_73 : memref<1x10000x64xbf16, #tpu.memory_space<hbm>> -> memref<10000x64xbf16, #tpu.memory_space<hbm>>
        %dma_start3A_75 = arith.constant 0 : i32
        %dma_start3A_76 = arith.constant 0 : i32
        %dma_start3A_77 = tpu.memref_slice %dma_start3A_74[%dma_start3A_75, %dma_start3A_76] : memref<10000x64xbf16, #tpu.memory_space<hbm>> -> memref<10000x64xbf16, #tpu.memory_space<hbm>>
        tpu.enqueue_indirect_dma source(%dma_start3A_77 : memref<10000x64xbf16, #tpu.memory_space<hbm>>) target(%arg10 : memref<128x64xbf16, #tpu.memory_space<vmem>>) offsets(%dma_start3A_70 : memref<128xi32, #tpu.memory_space<vmem>>) semaphore(%arg13 : memref<!tpu.dma_semaphore, #tpu.memory_space<semaphore_mem>>)
      } else {
      }
    }
    %scan3A_26 = arith.constant 80 : i32
    %barrier3A_27 = arith.constant 0 : index
    tpu.barrier barrier_id(%barrier3A_27)
    %mul3A_28 = arith.constant 632 : i32
    %mul3A_29 = arith.muli %arg1, %mul3A_28 : i32
    %mul3A_30 = arith.constant 632 : i32
    %mul3A_31 = arith.muli %arg1, %mul3A_30 : i32
    "tpu.region"() ({
      %run_scoped3A = tpu.sem_alloc : memref<!tpu.dma_semaphore, #tpu.memory_space<semaphore_mem>>
      %dma_start3A_32 = arith.constant 0 : i32
      %dma_start3A_33 = tpu.memref_slice %arg6[%arg0, %mul3A_31, %dma_start3A_32] : memref<2x10112x64xbf16, #tpu.memory_space<hbm>> -> memref<1x632x64xbf16, #tpu.memory_space<hbm>>
      %dma_start3A_34 = tpu.memref_squeeze %dma_start3A_33 : memref<1x632x64xbf16, #tpu.memory_space<hbm>> -> memref<632x64xbf16, #tpu.memory_space<hbm>>
      %dma_start3A_35 = arith.constant 0 : i32
      %dma_start3A_36 = tpu.memref_slice %arg11[%mul3A_29, %dma_start3A_35] : memref<10112x64xbf16, #tpu.memory_space<vmem_shared>> -> memref<632x64xbf16, #tpu.memory_space<vmem_shared>>
      tpu.enqueue_dma source(%dma_start3A_36 : memref<632x64xbf16, #tpu.memory_space<vmem_shared>>) target(%dma_start3A_34 : memref<632x64xbf16, #tpu.memory_space<hbm>>) target_semaphore(%run_scoped3A : memref<!tpu.dma_semaphore, #tpu.memory_space<semaphore_mem>>)
      %dma_wait3A = arith.constant 0 : i32
      %dma_wait3A_37 = tpu.memref_slice %arg6[%arg0, %mul3A_31, %dma_wait3A] : memref<2x10112x64xbf16, #tpu.memory_space<hbm>> -> memref<1x632x64xbf16, #tpu.memory_space<hbm>>
      %dma_wait3A_38 = tpu.memref_squeeze %dma_wait3A_37 : memref<1x632x64xbf16, #tpu.memory_space<hbm>> -> memref<632x64xbf16, #tpu.memory_space<hbm>>
      %dma_wait3A_39 = arith.constant 0 : i32
      %dma_wait3A_40 = tpu.memref_slice %arg11[%mul3A_29, %dma_wait3A_39] : memref<10112x64xbf16, #tpu.memory_space<vmem_shared>> -> memref<632x64xbf16, #tpu.memory_space<vmem_shared>>
      tpu.wait_dma2 semaphore(%run_scoped3A : memref<!tpu.dma_semaphore, #tpu.memory_space<semaphore_mem>>) src(%dma_wait3A_40 : memref<632x64xbf16, #tpu.memory_space<vmem_shared>>) dst(%dma_wait3A_38 : memref<632x64xbf16, #tpu.memory_space<hbm>>)
      tpu.yield
    }) : () -> ()
    return
  }
}

#map = affine_map<(d0, d1) -> (0, 0, 0)>
#map1 = affine_map<(d0, d1) -> (0, 0)>
module attributes {stable_mosaic.version = 14 : i64} {
  func.func @_sc_agg(%arg0: i32, %arg1: i32, %arg2: memref<2x10000x64xbf16, #tpu.memory_space<hbm>>, %arg3: memref<16x160x128xi32, #tpu.memory_space<hbm>>, %arg4: memref<16x160x128xi32, #tpu.memory_space<hbm>>, %arg5: memref<632x64xbf16, #tpu.memory_space<hbm>>, %arg6: memref<2x10112x64xbf16, #tpu.memory_space<hbm>>, %arg7: memref<160x128xi32, #tpu.memory_space<vmem>>, %arg8: memref<160x128xi32, #tpu.memory_space<vmem>>, %arg9: memref<128x64xbf16, #tpu.memory_space<vmem>>, %arg10: memref<128x64xbf16, #tpu.memory_space<vmem>>, %arg11: memref<10112x64xbf16, #tpu.memory_space<vmem_shared>>, %arg12: memref<!tpu.dma_semaphore, #tpu.memory_space<semaphore_mem>>, %arg13: memref<!tpu.dma_semaphore, #tpu.memory_space<semaphore_mem>>) attributes {dimension_semantics = [#tpu.dimension_semantics<core_parallel>, #tpu.dimension_semantics<subcore_parallel>], iteration_bounds = array<i64: 2, 16>, scalar_prefetch = 0 : i64, scratch_operands = 7 : i64, tpu.core_type = #tpu.core_type<sc_vector_subcore>, window_params = [{transform_indices = #map}, {transform_indices = #map}, {transform_indices = #map}, {transform_indices = #map1}, {transform_indices = #map}]} {
    "tpu.region"() ({
      %run_scoped3A = tpu.sem_alloc : memref<!tpu.dma_semaphore, #tpu.memory_space<semaphore_mem>>
      %dma_start3A_32 = arith.constant 0 : i32
      %dma_start3A_33 = arith.constant 0 : i32
      %dma_start3A_34 = tpu.memref_slice %arg3[%arg1, %dma_start3A_32, %dma_start3A_33] : memref<16x160x128xi32, #tpu.memory_space<hbm>> -> memref<1x160x128xi32, #tpu.memory_space<hbm>>
      %dma_start3A_35 = tpu.memref_squeeze %dma_start3A_34 : memref<1x160x128xi32, #tpu.memory_space<hbm>> -> memref<160x128xi32, #tpu.memory_space<hbm>>
      %dma_start3A_36 = arith.constant 0 : i32
      %dma_start3A_37 = arith.constant 0 : i32
      %dma_start3A_38 = tpu.memref_slice %arg3[%arg1, %dma_start3A_36, %dma_start3A_37] : memref<16x160x128xi32, #tpu.memory_space<hbm>> -> memref<1x160x128xi32, #tpu.memory_space<hbm>>
      %dma_start3A_39 = tpu.memref_squeeze %dma_start3A_38 : memref<1x160x128xi32, #tpu.memory_space<hbm>> -> memref<160x128xi32, #tpu.memory_space<hbm>>
      tpu.enqueue_dma source(%dma_start3A_39 : memref<160x128xi32, #tpu.memory_space<hbm>>) target(%arg7 : memref<160x128xi32, #tpu.memory_space<vmem>>) target_semaphore(%run_scoped3A : memref<!tpu.dma_semaphore, #tpu.memory_space<semaphore_mem>>)
      %dma_wait3A = arith.constant 0 : i32
      %dma_wait3A_40 = arith.constant 0 : i32
      %dma_wait3A_41 = tpu.memref_slice %arg3[%arg1, %dma_wait3A, %dma_wait3A_40] : memref<16x160x128xi32, #tpu.memory_space<hbm>> -> memref<1x160x128xi32, #tpu.memory_space<hbm>>
      %dma_wait3A_42 = tpu.memref_squeeze %dma_wait3A_41 : memref<1x160x128xi32, #tpu.memory_space<hbm>> -> memref<160x128xi32, #tpu.memory_space<hbm>>
      %dma_wait3A_43 = arith.constant 0 : i32
      %dma_wait3A_44 = arith.constant 0 : i32
      %dma_wait3A_45 = tpu.memref_slice %arg3[%arg1, %dma_wait3A_43, %dma_wait3A_44] : memref<16x160x128xi32, #tpu.memory_space<hbm>> -> memref<1x160x128xi32, #tpu.memory_space<hbm>>
      %dma_wait3A_46 = tpu.memref_squeeze %dma_wait3A_45 : memref<1x160x128xi32, #tpu.memory_space<hbm>> -> memref<160x128xi32, #tpu.memory_space<hbm>>
      tpu.wait_dma2 semaphore(%run_scoped3A : memref<!tpu.dma_semaphore, #tpu.memory_space<semaphore_mem>>) src(%dma_wait3A_46 : memref<160x128xi32, #tpu.memory_space<hbm>>) dst(%arg7 : memref<160x128xi32, #tpu.memory_space<vmem>>)
      tpu.yield
    }) : () -> ()
    "tpu.region"() ({
      %run_scoped3A = tpu.sem_alloc : memref<!tpu.dma_semaphore, #tpu.memory_space<semaphore_mem>>
      %dma_start3A_32 = arith.constant 0 : i32
      %dma_start3A_33 = arith.constant 0 : i32
      %dma_start3A_34 = tpu.memref_slice %arg4[%arg1, %dma_start3A_32, %dma_start3A_33] : memref<16x160x128xi32, #tpu.memory_space<hbm>> -> memref<1x160x128xi32, #tpu.memory_space<hbm>>
      %dma_start3A_35 = tpu.memref_squeeze %dma_start3A_34 : memref<1x160x128xi32, #tpu.memory_space<hbm>> -> memref<160x128xi32, #tpu.memory_space<hbm>>
      %dma_start3A_36 = arith.constant 0 : i32
      %dma_start3A_37 = arith.constant 0 : i32
      %dma_start3A_38 = tpu.memref_slice %arg4[%arg1, %dma_start3A_36, %dma_start3A_37] : memref<16x160x128xi32, #tpu.memory_space<hbm>> -> memref<1x160x128xi32, #tpu.memory_space<hbm>>
      %dma_start3A_39 = tpu.memref_squeeze %dma_start3A_38 : memref<1x160x128xi32, #tpu.memory_space<hbm>> -> memref<160x128xi32, #tpu.memory_space<hbm>>
      tpu.enqueue_dma source(%dma_start3A_39 : memref<160x128xi32, #tpu.memory_space<hbm>>) target(%arg8 : memref<160x128xi32, #tpu.memory_space<vmem>>) target_semaphore(%run_scoped3A : memref<!tpu.dma_semaphore, #tpu.memory_space<semaphore_mem>>)
      %dma_wait3A = arith.constant 0 : i32
      %dma_wait3A_40 = arith.constant 0 : i32
      %dma_wait3A_41 = tpu.memref_slice %arg4[%arg1, %dma_wait3A, %dma_wait3A_40] : memref<16x160x128xi32, #tpu.memory_space<hbm>> -> memref<1x160x128xi32, #tpu.memory_space<hbm>>
      %dma_wait3A_42 = tpu.memref_squeeze %dma_wait3A_41 : memref<1x160x128xi32, #tpu.memory_space<hbm>> -> memref<160x128xi32, #tpu.memory_space<hbm>>
      %dma_wait3A_43 = arith.constant 0 : i32
      %dma_wait3A_44 = arith.constant 0 : i32
      %dma_wait3A_45 = tpu.memref_slice %arg4[%arg1, %dma_wait3A_43, %dma_wait3A_44] : memref<16x160x128xi32, #tpu.memory_space<hbm>> -> memref<1x160x128xi32, #tpu.memory_space<hbm>>
      %dma_wait3A_46 = tpu.memref_squeeze %dma_wait3A_45 : memref<1x160x128xi32, #tpu.memory_space<hbm>> -> memref<160x128xi32, #tpu.memory_space<hbm>>
      tpu.wait_dma2 semaphore(%run_scoped3A : memref<!tpu.dma_semaphore, #tpu.memory_space<semaphore_mem>>) src(%dma_wait3A_46 : memref<160x128xi32, #tpu.memory_space<hbm>>) dst(%arg8 : memref<160x128xi32, #tpu.memory_space<vmem>>)
      tpu.yield
    }) : () -> ()
    %dma_start3A = arith.constant 0 : i32
    %dma_start3A_0 = arith.constant 0 : i32
    %dma_start3A_1 = tpu.memref_slice %arg7[%dma_start3A, %dma_start3A_0] : memref<160x128xi32, #tpu.memory_space<vmem>> -> memref<1x128xi32, #tpu.memory_space<vmem>>
    %dma_start3A_2 = tpu.memref_squeeze %dma_start3A_1 : memref<1x128xi32, #tpu.memory_space<vmem>> -> memref<128xi32, #tpu.memory_space<vmem>>
    %dma_start3A_3 = arith.constant 0 : i32
    %dma_start3A_4 = arith.constant 0 : i32
    %dma_start3A_5 = tpu.memref_slice %arg2[%arg0, %dma_start3A_3, %dma_start3A_4] : memref<2x10000x64xbf16, #tpu.memory_space<hbm>> -> memref<1x10000x64xbf16, #tpu.memory_space<hbm>>
    %dma_start3A_6 = tpu.memref_squeeze %dma_start3A_5 : memref<1x10000x64xbf16, #tpu.memory_space<hbm>> -> memref<10000x64xbf16, #tpu.memory_space<hbm>>
    %dma_start3A_7 = arith.constant 0 : i32
    %dma_start3A_8 = arith.constant 0 : i32
    %dma_start3A_9 = tpu.memref_slice %dma_start3A_6[%dma_start3A_7, %dma_start3A_8] : memref<10000x64xbf16, #tpu.memory_space<hbm>> -> memref<10000x64xbf16, #tpu.memory_space<hbm>>
    tpu.enqueue_indirect_dma source(%dma_start3A_9 : memref<10000x64xbf16, #tpu.memory_space<hbm>>) target(%arg9 : memref<128x64xbf16, #tpu.memory_space<vmem>>) offsets(%dma_start3A_2 : memref<128xi32, #tpu.memory_space<vmem>>) semaphore(%arg12 : memref<!tpu.dma_semaphore, #tpu.memory_space<semaphore_mem>>)
    %dma_start3A_10 = arith.constant 1 : i32
    %dma_start3A_11 = arith.constant 0 : i32
    %dma_start3A_12 = tpu.memref_slice %arg7[%dma_start3A_10, %dma_start3A_11] : memref<160x128xi32, #tpu.memory_space<vmem>> -> memref<1x128xi32, #tpu.memory_space<vmem>>
    %dma_start3A_13 = tpu.memref_squeeze %dma_start3A_12 : memref<1x128xi32, #tpu.memory_space<vmem>> -> memref<128xi32, #tpu.memory_space<vmem>>
    %dma_start3A_14 = arith.constant 0 : i32
    %dma_start3A_15 = arith.constant 0 : i32
    %dma_start3A_16 = tpu.memref_slice %arg2[%arg0, %dma_start3A_14, %dma_start3A_15] : memref<2x10000x64xbf16, #tpu.memory_space<hbm>> -> memref<1x10000x64xbf16, #tpu.memory_space<hbm>>
    %dma_start3A_17 = tpu.memref_squeeze %dma_start3A_16 : memref<1x10000x64xbf16, #tpu.memory_space<hbm>> -> memref<10000x64xbf16, #tpu.memory_space<hbm>>
    %dma_start3A_18 = arith.constant 0 : i32
    %dma_start3A_19 = arith.constant 0 : i32
    %dma_start3A_20 = tpu.memref_slice %dma_start3A_17[%dma_start3A_18, %dma_start3A_19] : memref<10000x64xbf16, #tpu.memory_space<hbm>> -> memref<10000x64xbf16, #tpu.memory_space<hbm>>
    tpu.enqueue_indirect_dma source(%dma_start3A_20 : memref<10000x64xbf16, #tpu.memory_space<hbm>>) target(%arg10 : memref<128x64xbf16, #tpu.memory_space<vmem>>) offsets(%dma_start3A_13 : memref<128xi32, #tpu.memory_space<vmem>>) semaphore(%arg13 : memref<!tpu.dma_semaphore, #tpu.memory_space<semaphore_mem>>)
    %mul3A = arith.constant 632 : i32
    %mul3A_21 = arith.muli %arg1, %mul3A : i32
    "tpu.region"() ({
      %run_scoped3A = tpu.sem_alloc : memref<!tpu.dma_semaphore, #tpu.memory_space<semaphore_mem>>
      %dma_start3A_32 = arith.constant 0 : i32
      %dma_start3A_33 = tpu.memref_slice %arg11[%mul3A_21, %dma_start3A_32] : memref<10112x64xbf16, #tpu.memory_space<vmem_shared>> -> memref<632x64xbf16, #tpu.memory_space<vmem_shared>>
      tpu.enqueue_dma source(%arg5 : memref<632x64xbf16, #tpu.memory_space<hbm>>) target(%dma_start3A_33 : memref<632x64xbf16, #tpu.memory_space<vmem_shared>>) target_semaphore(%run_scoped3A : memref<!tpu.dma_semaphore, #tpu.memory_space<semaphore_mem>>)
      %dma_wait3A = arith.constant 0 : i32
      %dma_wait3A_34 = tpu.memref_slice %arg11[%mul3A_21, %dma_wait3A] : memref<10112x64xbf16, #tpu.memory_space<vmem_shared>> -> memref<632x64xbf16, #tpu.memory_space<vmem_shared>>
      tpu.wait_dma2 semaphore(%run_scoped3A : memref<!tpu.dma_semaphore, #tpu.memory_space<semaphore_mem>>) src(%arg5 : memref<632x64xbf16, #tpu.memory_space<hbm>>) dst(%dma_wait3A_34 : memref<632x64xbf16, #tpu.memory_space<vmem_shared>>)
      tpu.yield
    }) : () -> ()
    %barrier3A = arith.constant 0 : index
    tpu.barrier barrier_id(%barrier3A)
    %scan3A = arith.constant 0 : i32
    %scan3A_22 = arith.constant 0 : i32
    %scan3A_23 = arith.constant 80 : i32
    %scan3A_24 = arith.addi %scan3A_22, %scan3A_23 : i32
    %scan3A_25 = arith.constant 1 : i32
    scf.for %scan3A_32 = %scan3A_22 to %scan3A_24 step %scan3A_25  : i32 {
      %mul3A_33 = arith.constant 2 : i32
      %mul3A_34 = arith.muli %scan3A_32, %mul3A_33 : i32
      %dma_wait3A = arith.constant 0 : i32
      %dma_wait3A_35 = tpu.memref_slice %arg7[%mul3A_34, %dma_wait3A] : memref<160x128xi32, #tpu.memory_space<vmem>> -> memref<1x128xi32, #tpu.memory_space<vmem>>
      %dma_wait3A_36 = tpu.memref_squeeze %dma_wait3A_35 : memref<1x128xi32, #tpu.memory_space<vmem>> -> memref<128xi32, #tpu.memory_space<vmem>>
      %dma_wait3A_37 = arith.constant 0 : i32
      %dma_wait3A_38 = arith.constant 0 : i32
      %dma_wait3A_39 = tpu.memref_slice %arg2[%arg0, %dma_wait3A_37, %dma_wait3A_38] : memref<2x10000x64xbf16, #tpu.memory_space<hbm>> -> memref<1x10000x64xbf16, #tpu.memory_space<hbm>>
      %dma_wait3A_40 = tpu.memref_squeeze %dma_wait3A_39 : memref<1x10000x64xbf16, #tpu.memory_space<hbm>> -> memref<10000x64xbf16, #tpu.memory_space<hbm>>
      %dma_wait3A_41 = arith.constant 0 : i32
      %dma_wait3A_42 = arith.constant 0 : i32
      %dma_wait3A_43 = tpu.memref_slice %dma_wait3A_40[%dma_wait3A_41, %dma_wait3A_42] : memref<10000x64xbf16, #tpu.memory_space<hbm>> -> memref<10000x64xbf16, #tpu.memory_space<hbm>>
      tpu.wait_indirect_dma semaphore(%arg12 : memref<!tpu.dma_semaphore, #tpu.memory_space<semaphore_mem>>) src(%dma_wait3A_43 : memref<10000x64xbf16, #tpu.memory_space<hbm>>) dst(%arg9 : memref<128x64xbf16, #tpu.memory_space<vmem>>)
      "tpu.region"() ({
        %run_scoped3A = tpu.sem_alloc : memref<!tpu.dma_semaphore, #tpu.memory_space<semaphore_mem>>
        %dma_start3A_66 = arith.constant 0 : i32
        %dma_start3A_67 = tpu.memref_slice %arg8[%mul3A_34, %dma_start3A_66] : memref<160x128xi32, #tpu.memory_space<vmem>> -> memref<1x128xi32, #tpu.memory_space<vmem>>
        %dma_start3A_68 = tpu.memref_squeeze %dma_start3A_67 : memref<1x128xi32, #tpu.memory_space<vmem>> -> memref<128xi32, #tpu.memory_space<vmem>>
        %dma_start3A_69 = arith.constant 0 : i32
        %dma_start3A_70 = arith.constant 0 : i32
        %dma_start3A_71 = tpu.memref_slice %arg11[%dma_start3A_69, %dma_start3A_70] : memref<10112x64xbf16, #tpu.memory_space<vmem_shared>> -> memref<10112x64xbf16, #tpu.memory_space<vmem_shared>>
        tpu.enqueue_indirect_dma source(%arg9 : memref<128x64xbf16, #tpu.memory_space<vmem>>) target(%dma_start3A_71 : memref<10112x64xbf16, #tpu.memory_space<vmem_shared>>) offsets(%dma_start3A_68 : memref<128xi32, #tpu.memory_space<vmem>>) semaphore(%run_scoped3A : memref<!tpu.dma_semaphore, #tpu.memory_space<semaphore_mem>>) {add = true}
        %dma_wait3A_72 = arith.constant 0 : i32
        %dma_wait3A_73 = tpu.memref_slice %arg8[%mul3A_34, %dma_wait3A_72] : memref<160x128xi32, #tpu.memory_space<vmem>> -> memref<1x128xi32, #tpu.memory_space<vmem>>
        %dma_wait3A_74 = tpu.memref_squeeze %dma_wait3A_73 : memref<1x128xi32, #tpu.memory_space<vmem>> -> memref<128xi32, #tpu.memory_space<vmem>>
        %dma_wait3A_75 = arith.constant 0 : i32
        %dma_wait3A_76 = arith.constant 0 : i32
        %dma_wait3A_77 = tpu.memref_slice %arg11[%dma_wait3A_75, %dma_wait3A_76] : memref<10112x64xbf16, #tpu.memory_space<vmem_shared>> -> memref<10112x64xbf16, #tpu.memory_space<vmem_shared>>
        tpu.wait_indirect_dma semaphore(%run_scoped3A : memref<!tpu.dma_semaphore, #tpu.memory_space<semaphore_mem>>) src(%arg9 : memref<128x64xbf16, #tpu.memory_space<vmem>>) dst(%dma_wait3A_77 : memref<10112x64xbf16, #tpu.memory_space<vmem_shared>>)
        tpu.yield
      }) : () -> ()
      %add3A = arith.constant 2 : i32
      %add3A_44 = arith.addi %mul3A_34, %add3A : i32
      %lt3A = arith.constant 160 : i32
      %lt3A_45 = arith.cmpi slt, %add3A_44, %lt3A : i32
      %convert_element_type3A = arith.extui %lt3A_45 : i1 to i32
      %cond3A = arith.constant 0 : i32
      %cond3A_46 = arith.cmpi ne, %convert_element_type3A, %cond3A : i32
      scf.if %cond3A_46 {
        %add3A_66 = arith.constant 2 : i32
        %add3A_67 = arith.addi %mul3A_34, %add3A_66 : i32
        %dma_start3A_68 = arith.constant 0 : i32
        %dma_start3A_69 = tpu.memref_slice %arg7[%add3A_67, %dma_start3A_68] : memref<160x128xi32, #tpu.memory_space<vmem>> -> memref<1x128xi32, #tpu.memory_space<vmem>>
        %dma_start3A_70 = tpu.memref_squeeze %dma_start3A_69 : memref<1x128xi32, #tpu.memory_space<vmem>> -> memref<128xi32, #tpu.memory_space<vmem>>
        %dma_start3A_71 = arith.constant 0 : i32
        %dma_start3A_72 = arith.constant 0 : i32
        %dma_start3A_73 = tpu.memref_slice %arg2[%arg0, %dma_start3A_71, %dma_start3A_72] : memref<2x10000x64xbf16, #tpu.memory_space<hbm>> -> memref<1x10000x64xbf16, #tpu.memory_space<hbm>>
        %dma_start3A_74 = tpu.memref_squeeze %dma_start3A_73 : memref<1x10000x64xbf16, #tpu.memory_space<hbm>> -> memref<10000x64xbf16, #tpu.memory_space<hbm>>
        %dma_start3A_75 = arith.constant 0 : i32
        %dma_start3A_76 = arith.constant 0 : i32
        %dma_start3A_77 = tpu.memref_slice %dma_start3A_74[%dma_start3A_75, %dma_start3A_76] : memref<10000x64xbf16, #tpu.memory_space<hbm>> -> memref<10000x64xbf16, #tpu.memory_space<hbm>>
        tpu.enqueue_indirect_dma source(%dma_start3A_77 : memref<10000x64xbf16, #tpu.memory_space<hbm>>) target(%arg9 : memref<128x64xbf16, #tpu.memory_space<vmem>>) offsets(%dma_start3A_70 : memref<128xi32, #tpu.memory_space<vmem>>) semaphore(%arg12 : memref<!tpu.dma_semaphore, #tpu.memory_space<semaphore_mem>>)
      } else {
      }
      %add3A_47 = arith.constant 1 : i32
      %add3A_48 = arith.addi %mul3A_34, %add3A_47 : i32
      %dma_wait3A_49 = arith.constant 0 : i32
      %dma_wait3A_50 = tpu.memref_slice %arg7[%add3A_48, %dma_wait3A_49] : memref<160x128xi32, #tpu.memory_space<vmem>> -> memref<1x128xi32, #tpu.memory_space<vmem>>
      %dma_wait3A_51 = tpu.memref_squeeze %dma_wait3A_50 : memref<1x128xi32, #tpu.memory_space<vmem>> -> memref<128xi32, #tpu.memory_space<vmem>>
      %dma_wait3A_52 = arith.constant 0 : i32
      %dma_wait3A_53 = arith.constant 0 : i32
      %dma_wait3A_54 = tpu.memref_slice %arg2[%arg0, %dma_wait3A_52, %dma_wait3A_53] : memref<2x10000x64xbf16, #tpu.memory_space<hbm>> -> memref<1x10000x64xbf16, #tpu.memory_space<hbm>>
      %dma_wait3A_55 = tpu.memref_squeeze %dma_wait3A_54 : memref<1x10000x64xbf16, #tpu.memory_space<hbm>> -> memref<10000x64xbf16, #tpu.memory_space<hbm>>
      %dma_wait3A_56 = arith.constant 0 : i32
      %dma_wait3A_57 = arith.constant 0 : i32
      %dma_wait3A_58 = tpu.memref_slice %dma_wait3A_55[%dma_wait3A_56, %dma_wait3A_57] : memref<10000x64xbf16, #tpu.memory_space<hbm>> -> memref<10000x64xbf16, #tpu.memory_space<hbm>>
      tpu.wait_indirect_dma semaphore(%arg13 : memref<!tpu.dma_semaphore, #tpu.memory_space<semaphore_mem>>) src(%dma_wait3A_58 : memref<10000x64xbf16, #tpu.memory_space<hbm>>) dst(%arg10 : memref<128x64xbf16, #tpu.memory_space<vmem>>)
      "tpu.region"() ({
        %run_scoped3A = tpu.sem_alloc : memref<!tpu.dma_semaphore, #tpu.memory_space<semaphore_mem>>
        %dma_start3A_66 = arith.constant 0 : i32
        %dma_start3A_67 = tpu.memref_slice %arg8[%add3A_48, %dma_start3A_66] : memref<160x128xi32, #tpu.memory_space<vmem>> -> memref<1x128xi32, #tpu.memory_space<vmem>>
        %dma_start3A_68 = tpu.memref_squeeze %dma_start3A_67 : memref<1x128xi32, #tpu.memory_space<vmem>> -> memref<128xi32, #tpu.memory_space<vmem>>
        %dma_start3A_69 = arith.constant 0 : i32
        %dma_start3A_70 = arith.constant 0 : i32
        %dma_start3A_71 = tpu.memref_slice %arg11[%dma_start3A_69, %dma_start3A_70] : memref<10112x64xbf16, #tpu.memory_space<vmem_shared>> -> memref<10112x64xbf16, #tpu.memory_space<vmem_shared>>
        tpu.enqueue_indirect_dma source(%arg10 : memref<128x64xbf16, #tpu.memory_space<vmem>>) target(%dma_start3A_71 : memref<10112x64xbf16, #tpu.memory_space<vmem_shared>>) offsets(%dma_start3A_68 : memref<128xi32, #tpu.memory_space<vmem>>) semaphore(%run_scoped3A : memref<!tpu.dma_semaphore, #tpu.memory_space<semaphore_mem>>) {add = true}
        %dma_wait3A_72 = arith.constant 0 : i32
        %dma_wait3A_73 = tpu.memref_slice %arg8[%add3A_48, %dma_wait3A_72] : memref<160x128xi32, #tpu.memory_space<vmem>> -> memref<1x128xi32, #tpu.memory_space<vmem>>
        %dma_wait3A_74 = tpu.memref_squeeze %dma_wait3A_73 : memref<1x128xi32, #tpu.memory_space<vmem>> -> memref<128xi32, #tpu.memory_space<vmem>>
        %dma_wait3A_75 = arith.constant 0 : i32
        %dma_wait3A_76 = arith.constant 0 : i32
        %dma_wait3A_77 = tpu.memref_slice %arg11[%dma_wait3A_75, %dma_wait3A_76] : memref<10112x64xbf16, #tpu.memory_space<vmem_shared>> -> memref<10112x64xbf16, #tpu.memory_space<vmem_shared>>
        tpu.wait_indirect_dma semaphore(%run_scoped3A : memref<!tpu.dma_semaphore, #tpu.memory_space<semaphore_mem>>) src(%arg10 : memref<128x64xbf16, #tpu.memory_space<vmem>>) dst(%dma_wait3A_77 : memref<10112x64xbf16, #tpu.memory_space<vmem_shared>>)
        tpu.yield
      }) : () -> ()
      %add3A_59 = arith.constant 2 : i32
      %add3A_60 = arith.addi %add3A_48, %add3A_59 : i32
      %lt3A_61 = arith.constant 160 : i32
      %lt3A_62 = arith.cmpi slt, %add3A_60, %lt3A_61 : i32
      %convert_element_type3A_63 = arith.extui %lt3A_62 : i1 to i32
      %cond3A_64 = arith.constant 0 : i32
      %cond3A_65 = arith.cmpi ne, %convert_element_type3A_63, %cond3A_64 : i32
      scf.if %cond3A_65 {
        %add3A_66 = arith.constant 2 : i32
        %add3A_67 = arith.addi %add3A_48, %add3A_66 : i32
        %dma_start3A_68 = arith.constant 0 : i32
        %dma_start3A_69 = tpu.memref_slice %arg7[%add3A_67, %dma_start3A_68] : memref<160x128xi32, #tpu.memory_space<vmem>> -> memref<1x128xi32, #tpu.memory_space<vmem>>
        %dma_start3A_70 = tpu.memref_squeeze %dma_start3A_69 : memref<1x128xi32, #tpu.memory_space<vmem>> -> memref<128xi32, #tpu.memory_space<vmem>>
        %dma_start3A_71 = arith.constant 0 : i32
        %dma_start3A_72 = arith.constant 0 : i32
        %dma_start3A_73 = tpu.memref_slice %arg2[%arg0, %dma_start3A_71, %dma_start3A_72] : memref<2x10000x64xbf16, #tpu.memory_space<hbm>> -> memref<1x10000x64xbf16, #tpu.memory_space<hbm>>
        %dma_start3A_74 = tpu.memref_squeeze %dma_start3A_73 : memref<1x10000x64xbf16, #tpu.memory_space<hbm>> -> memref<10000x64xbf16, #tpu.memory_space<hbm>>
        %dma_start3A_75 = arith.constant 0 : i32
        %dma_start3A_76 = arith.constant 0 : i32
        %dma_start3A_77 = tpu.memref_slice %dma_start3A_74[%dma_start3A_75, %dma_start3A_76] : memref<10000x64xbf16, #tpu.memory_space<hbm>> -> memref<10000x64xbf16, #tpu.memory_space<hbm>>
        tpu.enqueue_indirect_dma source(%dma_start3A_77 : memref<10000x64xbf16, #tpu.memory_space<hbm>>) target(%arg10 : memref<128x64xbf16, #tpu.memory_space<vmem>>) offsets(%dma_start3A_70 : memref<128xi32, #tpu.memory_space<vmem>>) semaphore(%arg13 : memref<!tpu.dma_semaphore, #tpu.memory_space<semaphore_mem>>)
      } else {
      }
    }
    %scan3A_26 = arith.constant 80 : i32
    %barrier3A_27 = arith.constant 0 : index
    tpu.barrier barrier_id(%barrier3A_27)
    %mul3A_28 = arith.constant 632 : i32
    %mul3A_29 = arith.muli %arg1, %mul3A_28 : i32
    %mul3A_30 = arith.constant 632 : i32
    %mul3A_31 = arith.muli %arg1, %mul3A_30 : i32
    "tpu.region"() ({
      %run_scoped3A = tpu.sem_alloc : memref<!tpu.dma_semaphore, #tpu.memory_space<semaphore_mem>>
      %dma_start3A_32 = arith.constant 0 : i32
      %dma_start3A_33 = tpu.memref_slice %arg6[%arg0, %mul3A_31, %dma_start3A_32] : memref<2x10112x64xbf16, #tpu.memory_space<hbm>> -> memref<1x632x64xbf16, #tpu.memory_space<hbm>>
      %dma_start3A_34 = tpu.memref_squeeze %dma_start3A_33 : memref<1x632x64xbf16, #tpu.memory_space<hbm>> -> memref<632x64xbf16, #tpu.memory_space<hbm>>
      %dma_start3A_35 = arith.constant 0 : i32
      %dma_start3A_36 = tpu.memref_slice %arg11[%mul3A_29, %dma_start3A_35] : memref<10112x64xbf16, #tpu.memory_space<vmem_shared>> -> memref<632x64xbf16, #tpu.memory_space<vmem_shared>>
      tpu.enqueue_dma source(%dma_start3A_36 : memref<632x64xbf16, #tpu.memory_space<vmem_shared>>) target(%dma_start3A_34 : memref<632x64xbf16, #tpu.memory_space<hbm>>) target_semaphore(%run_scoped3A : memref<!tpu.dma_semaphore, #tpu.memory_space<semaphore_mem>>)
      %dma_wait3A = arith.constant 0 : i32
      %dma_wait3A_37 = tpu.memref_slice %arg6[%arg0, %mul3A_31, %dma_wait3A] : memref<2x10112x64xbf16, #tpu.memory_space<hbm>> -> memref<1x632x64xbf16, #tpu.memory_space<hbm>>
      %dma_wait3A_38 = tpu.memref_squeeze %dma_wait3A_37 : memref<1x632x64xbf16, #tpu.memory_space<hbm>> -> memref<632x64xbf16, #tpu.memory_space<hbm>>
      %dma_wait3A_39 = arith.constant 0 : i32
      %dma_wait3A_40 = tpu.memref_slice %arg11[%mul3A_29, %dma_wait3A_39] : memref<10112x64xbf16, #tpu.memory_space<vmem_shared>> -> memref<632x64xbf16, #tpu.memory_space<vmem_shared>>
      tpu.wait_dma2 semaphore(%run_scoped3A : memref<!tpu.dma_semaphore, #tpu.memory_space<semaphore_mem>>) src(%dma_wait3A_40 : memref<632x64xbf16, #tpu.memory_space<vmem_shared>>) dst(%dma_wait3A_38 : memref<632x64xbf16, #tpu.memory_space<hbm>>)
      tpu.yield
    }) : () -> ()
    return
  }
}

#map = affine_map<(d0, d1) -> (0, 0, 0)>
#map1 = affine_map<(d0, d1) -> (0, 0)>
module attributes {stable_mosaic.version = 14 : i64} {
  func.func @_sc_agg(%arg0: i32, %arg1: i32, %arg2: memref<2x10000x64xbf16, #tpu.memory_space<hbm>>, %arg3: memref<16x160x128xi32, #tpu.memory_space<hbm>>, %arg4: memref<16x160x128xi32, #tpu.memory_space<hbm>>, %arg5: memref<632x64xbf16, #tpu.memory_space<hbm>>, %arg6: memref<2x10112x64xbf16, #tpu.memory_space<hbm>>, %arg7: memref<160x128xi32, #tpu.memory_space<vmem>>, %arg8: memref<160x128xi32, #tpu.memory_space<vmem>>, %arg9: memref<128x64xbf16, #tpu.memory_space<vmem>>, %arg10: memref<128x64xbf16, #tpu.memory_space<vmem>>, %arg11: memref<10112x64xbf16, #tpu.memory_space<vmem_shared>>, %arg12: memref<!tpu.dma_semaphore, #tpu.memory_space<semaphore_mem>>, %arg13: memref<!tpu.dma_semaphore, #tpu.memory_space<semaphore_mem>>) attributes {dimension_semantics = [#tpu.dimension_semantics<core_parallel>, #tpu.dimension_semantics<subcore_parallel>], iteration_bounds = array<i64: 2, 16>, scalar_prefetch = 0 : i64, scratch_operands = 7 : i64, tpu.core_type = #tpu.core_type<sc_vector_subcore>, window_params = [{transform_indices = #map}, {transform_indices = #map}, {transform_indices = #map}, {transform_indices = #map1}, {transform_indices = #map}]} {
    "tpu.region"() ({
      %run_scoped3A = tpu.sem_alloc : memref<!tpu.dma_semaphore, #tpu.memory_space<semaphore_mem>>
      %dma_start3A_32 = arith.constant 0 : i32
      %dma_start3A_33 = arith.constant 0 : i32
      %dma_start3A_34 = tpu.memref_slice %arg3[%arg1, %dma_start3A_32, %dma_start3A_33] : memref<16x160x128xi32, #tpu.memory_space<hbm>> -> memref<1x160x128xi32, #tpu.memory_space<hbm>>
      %dma_start3A_35 = tpu.memref_squeeze %dma_start3A_34 : memref<1x160x128xi32, #tpu.memory_space<hbm>> -> memref<160x128xi32, #tpu.memory_space<hbm>>
      %dma_start3A_36 = arith.constant 0 : i32
      %dma_start3A_37 = arith.constant 0 : i32
      %dma_start3A_38 = tpu.memref_slice %arg3[%arg1, %dma_start3A_36, %dma_start3A_37] : memref<16x160x128xi32, #tpu.memory_space<hbm>> -> memref<1x160x128xi32, #tpu.memory_space<hbm>>
      %dma_start3A_39 = tpu.memref_squeeze %dma_start3A_38 : memref<1x160x128xi32, #tpu.memory_space<hbm>> -> memref<160x128xi32, #tpu.memory_space<hbm>>
      tpu.enqueue_dma source(%dma_start3A_39 : memref<160x128xi32, #tpu.memory_space<hbm>>) target(%arg7 : memref<160x128xi32, #tpu.memory_space<vmem>>) target_semaphore(%run_scoped3A : memref<!tpu.dma_semaphore, #tpu.memory_space<semaphore_mem>>)
      %dma_wait3A = arith.constant 0 : i32
      %dma_wait3A_40 = arith.constant 0 : i32
      %dma_wait3A_41 = tpu.memref_slice %arg3[%arg1, %dma_wait3A, %dma_wait3A_40] : memref<16x160x128xi32, #tpu.memory_space<hbm>> -> memref<1x160x128xi32, #tpu.memory_space<hbm>>
      %dma_wait3A_42 = tpu.memref_squeeze %dma_wait3A_41 : memref<1x160x128xi32, #tpu.memory_space<hbm>> -> memref<160x128xi32, #tpu.memory_space<hbm>>
      %dma_wait3A_43 = arith.constant 0 : i32
      %dma_wait3A_44 = arith.constant 0 : i32
      %dma_wait3A_45 = tpu.memref_slice %arg3[%arg1, %dma_wait3A_43, %dma_wait3A_44] : memref<16x160x128xi32, #tpu.memory_space<hbm>> -> memref<1x160x128xi32, #tpu.memory_space<hbm>>
      %dma_wait3A_46 = tpu.memref_squeeze %dma_wait3A_45 : memref<1x160x128xi32, #tpu.memory_space<hbm>> -> memref<160x128xi32, #tpu.memory_space<hbm>>
      tpu.wait_dma2 semaphore(%run_scoped3A : memref<!tpu.dma_semaphore, #tpu.memory_space<semaphore_mem>>) src(%dma_wait3A_46 : memref<160x128xi32, #tpu.memory_space<hbm>>) dst(%arg7 : memref<160x128xi32, #tpu.memory_space<vmem>>)
      tpu.yield
    }) : () -> ()
    "tpu.region"() ({
      %run_scoped3A = tpu.sem_alloc : memref<!tpu.dma_semaphore, #tpu.memory_space<semaphore_mem>>
      %dma_start3A_32 = arith.constant 0 : i32
      %dma_start3A_33 = arith.constant 0 : i32
      %dma_start3A_34 = tpu.memref_slice %arg4[%arg1, %dma_start3A_32, %dma_start3A_33] : memref<16x160x128xi32, #tpu.memory_space<hbm>> -> memref<1x160x128xi32, #tpu.memory_space<hbm>>
      %dma_start3A_35 = tpu.memref_squeeze %dma_start3A_34 : memref<1x160x128xi32, #tpu.memory_space<hbm>> -> memref<160x128xi32, #tpu.memory_space<hbm>>
      %dma_start3A_36 = arith.constant 0 : i32
      %dma_start3A_37 = arith.constant 0 : i32
      %dma_start3A_38 = tpu.memref_slice %arg4[%arg1, %dma_start3A_36, %dma_start3A_37] : memref<16x160x128xi32, #tpu.memory_space<hbm>> -> memref<1x160x128xi32, #tpu.memory_space<hbm>>
      %dma_start3A_39 = tpu.memref_squeeze %dma_start3A_38 : memref<1x160x128xi32, #tpu.memory_space<hbm>> -> memref<160x128xi32, #tpu.memory_space<hbm>>
      tpu.enqueue_dma source(%dma_start3A_39 : memref<160x128xi32, #tpu.memory_space<hbm>>) target(%arg8 : memref<160x128xi32, #tpu.memory_space<vmem>>) target_semaphore(%run_scoped3A : memref<!tpu.dma_semaphore, #tpu.memory_space<semaphore_mem>>)
      %dma_wait3A = arith.constant 0 : i32
      %dma_wait3A_40 = arith.constant 0 : i32
      %dma_wait3A_41 = tpu.memref_slice %arg4[%arg1, %dma_wait3A, %dma_wait3A_40] : memref<16x160x128xi32, #tpu.memory_space<hbm>> -> memref<1x160x128xi32, #tpu.memory_space<hbm>>
      %dma_wait3A_42 = tpu.memref_squeeze %dma_wait3A_41 : memref<1x160x128xi32, #tpu.memory_space<hbm>> -> memref<160x128xi32, #tpu.memory_space<hbm>>
      %dma_wait3A_43 = arith.constant 0 : i32
      %dma_wait3A_44 = arith.constant 0 : i32
      %dma_wait3A_45 = tpu.memref_slice %arg4[%arg1, %dma_wait3A_43, %dma_wait3A_44] : memref<16x160x128xi32, #tpu.memory_space<hbm>> -> memref<1x160x128xi32, #tpu.memory_space<hbm>>
      %dma_wait3A_46 = tpu.memref_squeeze %dma_wait3A_45 : memref<1x160x128xi32, #tpu.memory_space<hbm>> -> memref<160x128xi32, #tpu.memory_space<hbm>>
      tpu.wait_dma2 semaphore(%run_scoped3A : memref<!tpu.dma_semaphore, #tpu.memory_space<semaphore_mem>>) src(%dma_wait3A_46 : memref<160x128xi32, #tpu.memory_space<hbm>>) dst(%arg8 : memref<160x128xi32, #tpu.memory_space<vmem>>)
      tpu.yield
    }) : () -> ()
    %dma_start3A = arith.constant 0 : i32
    %dma_start3A_0 = arith.constant 0 : i32
    %dma_start3A_1 = tpu.memref_slice %arg7[%dma_start3A, %dma_start3A_0] : memref<160x128xi32, #tpu.memory_space<vmem>> -> memref<1x128xi32, #tpu.memory_space<vmem>>
    %dma_start3A_2 = tpu.memref_squeeze %dma_start3A_1 : memref<1x128xi32, #tpu.memory_space<vmem>> -> memref<128xi32, #tpu.memory_space<vmem>>
    %dma_start3A_3 = arith.constant 0 : i32
    %dma_start3A_4 = arith.constant 0 : i32
    %dma_start3A_5 = tpu.memref_slice %arg2[%arg0, %dma_start3A_3, %dma_start3A_4] : memref<2x10000x64xbf16, #tpu.memory_space<hbm>> -> memref<1x10000x64xbf16, #tpu.memory_space<hbm>>
    %dma_start3A_6 = tpu.memref_squeeze %dma_start3A_5 : memref<1x10000x64xbf16, #tpu.memory_space<hbm>> -> memref<10000x64xbf16, #tpu.memory_space<hbm>>
    %dma_start3A_7 = arith.constant 0 : i32
    %dma_start3A_8 = arith.constant 0 : i32
    %dma_start3A_9 = tpu.memref_slice %dma_start3A_6[%dma_start3A_7, %dma_start3A_8] : memref<10000x64xbf16, #tpu.memory_space<hbm>> -> memref<10000x64xbf16, #tpu.memory_space<hbm>>
    tpu.enqueue_indirect_dma source(%dma_start3A_9 : memref<10000x64xbf16, #tpu.memory_space<hbm>>) target(%arg9 : memref<128x64xbf16, #tpu.memory_space<vmem>>) offsets(%dma_start3A_2 : memref<128xi32, #tpu.memory_space<vmem>>) semaphore(%arg12 : memref<!tpu.dma_semaphore, #tpu.memory_space<semaphore_mem>>)
    %dma_start3A_10 = arith.constant 1 : i32
    %dma_start3A_11 = arith.constant 0 : i32
    %dma_start3A_12 = tpu.memref_slice %arg7[%dma_start3A_10, %dma_start3A_11] : memref<160x128xi32, #tpu.memory_space<vmem>> -> memref<1x128xi32, #tpu.memory_space<vmem>>
    %dma_start3A_13 = tpu.memref_squeeze %dma_start3A_12 : memref<1x128xi32, #tpu.memory_space<vmem>> -> memref<128xi32, #tpu.memory_space<vmem>>
    %dma_start3A_14 = arith.constant 0 : i32
    %dma_start3A_15 = arith.constant 0 : i32
    %dma_start3A_16 = tpu.memref_slice %arg2[%arg0, %dma_start3A_14, %dma_start3A_15] : memref<2x10000x64xbf16, #tpu.memory_space<hbm>> -> memref<1x10000x64xbf16, #tpu.memory_space<hbm>>
    %dma_start3A_17 = tpu.memref_squeeze %dma_start3A_16 : memref<1x10000x64xbf16, #tpu.memory_space<hbm>> -> memref<10000x64xbf16, #tpu.memory_space<hbm>>
    %dma_start3A_18 = arith.constant 0 : i32
    %dma_start3A_19 = arith.constant 0 : i32
    %dma_start3A_20 = tpu.memref_slice %dma_start3A_17[%dma_start3A_18, %dma_start3A_19] : memref<10000x64xbf16, #tpu.memory_space<hbm>> -> memref<10000x64xbf16, #tpu.memory_space<hbm>>
    tpu.enqueue_indirect_dma source(%dma_start3A_20 : memref<10000x64xbf16, #tpu.memory_space<hbm>>) target(%arg10 : memref<128x64xbf16, #tpu.memory_space<vmem>>) offsets(%dma_start3A_13 : memref<128xi32, #tpu.memory_space<vmem>>) semaphore(%arg13 : memref<!tpu.dma_semaphore, #tpu.memory_space<semaphore_mem>>)
    %mul3A = arith.constant 632 : i32
    %mul3A_21 = arith.muli %arg1, %mul3A : i32
    "tpu.region"() ({
      %run_scoped3A = tpu.sem_alloc : memref<!tpu.dma_semaphore, #tpu.memory_space<semaphore_mem>>
      %dma_start3A_32 = arith.constant 0 : i32
      %dma_start3A_33 = tpu.memref_slice %arg11[%mul3A_21, %dma_start3A_32] : memref<10112x64xbf16, #tpu.memory_space<vmem_shared>> -> memref<632x64xbf16, #tpu.memory_space<vmem_shared>>
      tpu.enqueue_dma source(%arg5 : memref<632x64xbf16, #tpu.memory_space<hbm>>) target(%dma_start3A_33 : memref<632x64xbf16, #tpu.memory_space<vmem_shared>>) target_semaphore(%run_scoped3A : memref<!tpu.dma_semaphore, #tpu.memory_space<semaphore_mem>>)
      %dma_wait3A = arith.constant 0 : i32
      %dma_wait3A_34 = tpu.memref_slice %arg11[%mul3A_21, %dma_wait3A] : memref<10112x64xbf16, #tpu.memory_space<vmem_shared>> -> memref<632x64xbf16, #tpu.memory_space<vmem_shared>>
      tpu.wait_dma2 semaphore(%run_scoped3A : memref<!tpu.dma_semaphore, #tpu.memory_space<semaphore_mem>>) src(%arg5 : memref<632x64xbf16, #tpu.memory_space<hbm>>) dst(%dma_wait3A_34 : memref<632x64xbf16, #tpu.memory_space<vmem_shared>>)
      tpu.yield
    }) : () -> ()
    %barrier3A = arith.constant 0 : index
    tpu.barrier barrier_id(%barrier3A)
    %scan3A = arith.constant 0 : i32
    %scan3A_22 = arith.constant 0 : i32
    %scan3A_23 = arith.constant 80 : i32
    %scan3A_24 = arith.addi %scan3A_22, %scan3A_23 : i32
    %scan3A_25 = arith.constant 1 : i32
    scf.for %scan3A_32 = %scan3A_22 to %scan3A_24 step %scan3A_25  : i32 {
      %mul3A_33 = arith.constant 2 : i32
      %mul3A_34 = arith.muli %scan3A_32, %mul3A_33 : i32
      %dma_wait3A = arith.constant 0 : i32
      %dma_wait3A_35 = tpu.memref_slice %arg7[%mul3A_34, %dma_wait3A] : memref<160x128xi32, #tpu.memory_space<vmem>> -> memref<1x128xi32, #tpu.memory_space<vmem>>
      %dma_wait3A_36 = tpu.memref_squeeze %dma_wait3A_35 : memref<1x128xi32, #tpu.memory_space<vmem>> -> memref<128xi32, #tpu.memory_space<vmem>>
      %dma_wait3A_37 = arith.constant 0 : i32
      %dma_wait3A_38 = arith.constant 0 : i32
      %dma_wait3A_39 = tpu.memref_slice %arg2[%arg0, %dma_wait3A_37, %dma_wait3A_38] : memref<2x10000x64xbf16, #tpu.memory_space<hbm>> -> memref<1x10000x64xbf16, #tpu.memory_space<hbm>>
      %dma_wait3A_40 = tpu.memref_squeeze %dma_wait3A_39 : memref<1x10000x64xbf16, #tpu.memory_space<hbm>> -> memref<10000x64xbf16, #tpu.memory_space<hbm>>
      %dma_wait3A_41 = arith.constant 0 : i32
      %dma_wait3A_42 = arith.constant 0 : i32
      %dma_wait3A_43 = tpu.memref_slice %dma_wait3A_40[%dma_wait3A_41, %dma_wait3A_42] : memref<10000x64xbf16, #tpu.memory_space<hbm>> -> memref<10000x64xbf16, #tpu.memory_space<hbm>>
      tpu.wait_indirect_dma semaphore(%arg12 : memref<!tpu.dma_semaphore, #tpu.memory_space<semaphore_mem>>) src(%dma_wait3A_43 : memref<10000x64xbf16, #tpu.memory_space<hbm>>) dst(%arg9 : memref<128x64xbf16, #tpu.memory_space<vmem>>)
      "tpu.region"() ({
        %run_scoped3A = tpu.sem_alloc : memref<!tpu.dma_semaphore, #tpu.memory_space<semaphore_mem>>
        %dma_start3A_66 = arith.constant 0 : i32
        %dma_start3A_67 = tpu.memref_slice %arg8[%mul3A_34, %dma_start3A_66] : memref<160x128xi32, #tpu.memory_space<vmem>> -> memref<1x128xi32, #tpu.memory_space<vmem>>
        %dma_start3A_68 = tpu.memref_squeeze %dma_start3A_67 : memref<1x128xi32, #tpu.memory_space<vmem>> -> memref<128xi32, #tpu.memory_space<vmem>>
        %dma_start3A_69 = arith.constant 0 : i32
        %dma_start3A_70 = arith.constant 0 : i32
        %dma_start3A_71 = tpu.memref_slice %arg11[%dma_start3A_69, %dma_start3A_70] : memref<10112x64xbf16, #tpu.memory_space<vmem_shared>> -> memref<10112x64xbf16, #tpu.memory_space<vmem_shared>>
        tpu.enqueue_indirect_dma source(%arg9 : memref<128x64xbf16, #tpu.memory_space<vmem>>) target(%dma_start3A_71 : memref<10112x64xbf16, #tpu.memory_space<vmem_shared>>) offsets(%dma_start3A_68 : memref<128xi32, #tpu.memory_space<vmem>>) semaphore(%run_scoped3A : memref<!tpu.dma_semaphore, #tpu.memory_space<semaphore_mem>>) {add = true}
        %dma_wait3A_72 = arith.constant 0 : i32
        %dma_wait3A_73 = tpu.memref_slice %arg8[%mul3A_34, %dma_wait3A_72] : memref<160x128xi32, #tpu.memory_space<vmem>> -> memref<1x128xi32, #tpu.memory_space<vmem>>
        %dma_wait3A_74 = tpu.memref_squeeze %dma_wait3A_73 : memref<1x128xi32, #tpu.memory_space<vmem>> -> memref<128xi32, #tpu.memory_space<vmem>>
        %dma_wait3A_75 = arith.constant 0 : i32
        %dma_wait3A_76 = arith.constant 0 : i32
        %dma_wait3A_77 = tpu.memref_slice %arg11[%dma_wait3A_75, %dma_wait3A_76] : memref<10112x64xbf16, #tpu.memory_space<vmem_shared>> -> memref<10112x64xbf16, #tpu.memory_space<vmem_shared>>
        tpu.wait_indirect_dma semaphore(%run_scoped3A : memref<!tpu.dma_semaphore, #tpu.memory_space<semaphore_mem>>) src(%arg9 : memref<128x64xbf16, #tpu.memory_space<vmem>>) dst(%dma_wait3A_77 : memref<10112x64xbf16, #tpu.memory_space<vmem_shared>>)
        tpu.yield
      }) : () -> ()
      %add3A = arith.constant 2 : i32
      %add3A_44 = arith.addi %mul3A_34, %add3A : i32
      %lt3A = arith.constant 160 : i32
      %lt3A_45 = arith.cmpi slt, %add3A_44, %lt3A : i32
      %convert_element_type3A = arith.extui %lt3A_45 : i1 to i32
      %cond3A = arith.constant 0 : i32
      %cond3A_46 = arith.cmpi ne, %convert_element_type3A, %cond3A : i32
      scf.if %cond3A_46 {
        %add3A_66 = arith.constant 2 : i32
        %add3A_67 = arith.addi %mul3A_34, %add3A_66 : i32
        %dma_start3A_68 = arith.constant 0 : i32
        %dma_start3A_69 = tpu.memref_slice %arg7[%add3A_67, %dma_start3A_68] : memref<160x128xi32, #tpu.memory_space<vmem>> -> memref<1x128xi32, #tpu.memory_space<vmem>>
        %dma_start3A_70 = tpu.memref_squeeze %dma_start3A_69 : memref<1x128xi32, #tpu.memory_space<vmem>> -> memref<128xi32, #tpu.memory_space<vmem>>
        %dma_start3A_71 = arith.constant 0 : i32
        %dma_start3A_72 = arith.constant 0 : i32
        %dma_start3A_73 = tpu.memref_slice %arg2[%arg0, %dma_start3A_71, %dma_start3A_72] : memref<2x10000x64xbf16, #tpu.memory_space<hbm>> -> memref<1x10000x64xbf16, #tpu.memory_space<hbm>>
        %dma_start3A_74 = tpu.memref_squeeze %dma_start3A_73 : memref<1x10000x64xbf16, #tpu.memory_space<hbm>> -> memref<10000x64xbf16, #tpu.memory_space<hbm>>
        %dma_start3A_75 = arith.constant 0 : i32
        %dma_start3A_76 = arith.constant 0 : i32
        %dma_start3A_77 = tpu.memref_slice %dma_start3A_74[%dma_start3A_75, %dma_start3A_76] : memref<10000x64xbf16, #tpu.memory_space<hbm>> -> memref<10000x64xbf16, #tpu.memory_space<hbm>>
        tpu.enqueue_indirect_dma source(%dma_start3A_77 : memref<10000x64xbf16, #tpu.memory_space<hbm>>) target(%arg9 : memref<128x64xbf16, #tpu.memory_space<vmem>>) offsets(%dma_start3A_70 : memref<128xi32, #tpu.memory_space<vmem>>) semaphore(%arg12 : memref<!tpu.dma_semaphore, #tpu.memory_space<semaphore_mem>>)
      } else {
      }
      %add3A_47 = arith.constant 1 : i32
      %add3A_48 = arith.addi %mul3A_34, %add3A_47 : i32
      %dma_wait3A_49 = arith.constant 0 : i32
      %dma_wait3A_50 = tpu.memref_slice %arg7[%add3A_48, %dma_wait3A_49] : memref<160x128xi32, #tpu.memory_space<vmem>> -> memref<1x128xi32, #tpu.memory_space<vmem>>
      %dma_wait3A_51 = tpu.memref_squeeze %dma_wait3A_50 : memref<1x128xi32, #tpu.memory_space<vmem>> -> memref<128xi32, #tpu.memory_space<vmem>>
      %dma_wait3A_52 = arith.constant 0 : i32
      %dma_wait3A_53 = arith.constant 0 : i32
      %dma_wait3A_54 = tpu.memref_slice %arg2[%arg0, %dma_wait3A_52, %dma_wait3A_53] : memref<2x10000x64xbf16, #tpu.memory_space<hbm>> -> memref<1x10000x64xbf16, #tpu.memory_space<hbm>>
      %dma_wait3A_55 = tpu.memref_squeeze %dma_wait3A_54 : memref<1x10000x64xbf16, #tpu.memory_space<hbm>> -> memref<10000x64xbf16, #tpu.memory_space<hbm>>
      %dma_wait3A_56 = arith.constant 0 : i32
      %dma_wait3A_57 = arith.constant 0 : i32
      %dma_wait3A_58 = tpu.memref_slice %dma_wait3A_55[%dma_wait3A_56, %dma_wait3A_57] : memref<10000x64xbf16, #tpu.memory_space<hbm>> -> memref<10000x64xbf16, #tpu.memory_space<hbm>>
      tpu.wait_indirect_dma semaphore(%arg13 : memref<!tpu.dma_semaphore, #tpu.memory_space<semaphore_mem>>) src(%dma_wait3A_58 : memref<10000x64xbf16, #tpu.memory_space<hbm>>) dst(%arg10 : memref<128x64xbf16, #tpu.memory_space<vmem>>)
      "tpu.region"() ({
        %run_scoped3A = tpu.sem_alloc : memref<!tpu.dma_semaphore, #tpu.memory_space<semaphore_mem>>
        %dma_start3A_66 = arith.constant 0 : i32
        %dma_start3A_67 = tpu.memref_slice %arg8[%add3A_48, %dma_start3A_66] : memref<160x128xi32, #tpu.memory_space<vmem>> -> memref<1x128xi32, #tpu.memory_space<vmem>>
        %dma_start3A_68 = tpu.memref_squeeze %dma_start3A_67 : memref<1x128xi32, #tpu.memory_space<vmem>> -> memref<128xi32, #tpu.memory_space<vmem>>
        %dma_start3A_69 = arith.constant 0 : i32
        %dma_start3A_70 = arith.constant 0 : i32
        %dma_start3A_71 = tpu.memref_slice %arg11[%dma_start3A_69, %dma_start3A_70] : memref<10112x64xbf16, #tpu.memory_space<vmem_shared>> -> memref<10112x64xbf16, #tpu.memory_space<vmem_shared>>
        tpu.enqueue_indirect_dma source(%arg10 : memref<128x64xbf16, #tpu.memory_space<vmem>>) target(%dma_start3A_71 : memref<10112x64xbf16, #tpu.memory_space<vmem_shared>>) offsets(%dma_start3A_68 : memref<128xi32, #tpu.memory_space<vmem>>) semaphore(%run_scoped3A : memref<!tpu.dma_semaphore, #tpu.memory_space<semaphore_mem>>) {add = true}
        %dma_wait3A_72 = arith.constant 0 : i32
        %dma_wait3A_73 = tpu.memref_slice %arg8[%add3A_48, %dma_wait3A_72] : memref<160x128xi32, #tpu.memory_space<vmem>> -> memref<1x128xi32, #tpu.memory_space<vmem>>
        %dma_wait3A_74 = tpu.memref_squeeze %dma_wait3A_73 : memref<1x128xi32, #tpu.memory_space<vmem>> -> memref<128xi32, #tpu.memory_space<vmem>>
        %dma_wait3A_75 = arith.constant 0 : i32
        %dma_wait3A_76 = arith.constant 0 : i32
        %dma_wait3A_77 = tpu.memref_slice %arg11[%dma_wait3A_75, %dma_wait3A_76] : memref<10112x64xbf16, #tpu.memory_space<vmem_shared>> -> memref<10112x64xbf16, #tpu.memory_space<vmem_shared>>
        tpu.wait_indirect_dma semaphore(%run_scoped3A : memref<!tpu.dma_semaphore, #tpu.memory_space<semaphore_mem>>) src(%arg10 : memref<128x64xbf16, #tpu.memory_space<vmem>>) dst(%dma_wait3A_77 : memref<10112x64xbf16, #tpu.memory_space<vmem_shared>>)
        tpu.yield
      }) : () -> ()
      %add3A_59 = arith.constant 2 : i32
      %add3A_60 = arith.addi %add3A_48, %add3A_59 : i32
      %lt3A_61 = arith.constant 160 : i32
      %lt3A_62 = arith.cmpi slt, %add3A_60, %lt3A_61 : i32
      %convert_element_type3A_63 = arith.extui %lt3A_62 : i1 to i32
      %cond3A_64 = arith.constant 0 : i32
      %cond3A_65 = arith.cmpi ne, %convert_element_type3A_63, %cond3A_64 : i32
      scf.if %cond3A_65 {
        %add3A_66 = arith.constant 2 : i32
        %add3A_67 = arith.addi %add3A_48, %add3A_66 : i32
        %dma_start3A_68 = arith.constant 0 : i32
        %dma_start3A_69 = tpu.memref_slice %arg7[%add3A_67, %dma_start3A_68] : memref<160x128xi32, #tpu.memory_space<vmem>> -> memref<1x128xi32, #tpu.memory_space<vmem>>
        %dma_start3A_70 = tpu.memref_squeeze %dma_start3A_69 : memref<1x128xi32, #tpu.memory_space<vmem>> -> memref<128xi32, #tpu.memory_space<vmem>>
        %dma_start3A_71 = arith.constant 0 : i32
        %dma_start3A_72 = arith.constant 0 : i32
        %dma_start3A_73 = tpu.memref_slice %arg2[%arg0, %dma_start3A_71, %dma_start3A_72] : memref<2x10000x64xbf16, #tpu.memory_space<hbm>> -> memref<1x10000x64xbf16, #tpu.memory_space<hbm>>
        %dma_start3A_74 = tpu.memref_squeeze %dma_start3A_73 : memref<1x10000x64xbf16, #tpu.memory_space<hbm>> -> memref<10000x64xbf16, #tpu.memory_space<hbm>>
        %dma_start3A_75 = arith.constant 0 : i32
        %dma_start3A_76 = arith.constant 0 : i32
        %dma_start3A_77 = tpu.memref_slice %dma_start3A_74[%dma_start3A_75, %dma_start3A_76] : memref<10000x64xbf16, #tpu.memory_space<hbm>> -> memref<10000x64xbf16, #tpu.memory_space<hbm>>
        tpu.enqueue_indirect_dma source(%dma_start3A_77 : memref<10000x64xbf16, #tpu.memory_space<hbm>>) target(%arg10 : memref<128x64xbf16, #tpu.memory_space<vmem>>) offsets(%dma_start3A_70 : memref<128xi32, #tpu.memory_space<vmem>>) semaphore(%arg13 : memref<!tpu.dma_semaphore, #tpu.memory_space<semaphore_mem>>)
      } else {
      }
    }
    %scan3A_26 = arith.constant 80 : i32
    %barrier3A_27 = arith.constant 0 : index
    tpu.barrier barrier_id(%barrier3A_27)
    %mul3A_28 = arith.constant 632 : i32
    %mul3A_29 = arith.muli %arg1, %mul3A_28 : i32
    %mul3A_30 = arith.constant 632 : i32
    %mul3A_31 = arith.muli %arg1, %mul3A_30 : i32
    "tpu.region"() ({
      %run_scoped3A = tpu.sem_alloc : memref<!tpu.dma_semaphore, #tpu.memory_space<semaphore_mem>>
      %dma_start3A_32 = arith.constant 0 : i32
      %dma_start3A_33 = tpu.memref_slice %arg6[%arg0, %mul3A_31, %dma_start3A_32] : memref<2x10112x64xbf16, #tpu.memory_space<hbm>> -> memref<1x632x64xbf16, #tpu.memory_space<hbm>>
      %dma_start3A_34 = tpu.memref_squeeze %dma_start3A_33 : memref<1x632x64xbf16, #tpu.memory_space<hbm>> -> memref<632x64xbf16, #tpu.memory_space<hbm>>
      %dma_start3A_35 = arith.constant 0 : i32
      %dma_start3A_36 = tpu.memref_slice %arg11[%mul3A_29, %dma_start3A_35] : memref<10112x64xbf16, #tpu.memory_space<vmem_shared>> -> memref<632x64xbf16, #tpu.memory_space<vmem_shared>>
      tpu.enqueue_dma source(%dma_start3A_36 : memref<632x64xbf16, #tpu.memory_space<vmem_shared>>) target(%dma_start3A_34 : memref<632x64xbf16, #tpu.memory_space<hbm>>) target_semaphore(%run_scoped3A : memref<!tpu.dma_semaphore, #tpu.memory_space<semaphore_mem>>)
      %dma_wait3A = arith.constant 0 : i32
      %dma_wait3A_37 = tpu.memref_slice %arg6[%arg0, %mul3A_31, %dma_wait3A] : memref<2x10112x64xbf16, #tpu.memory_space<hbm>> -> memref<1x632x64xbf16, #tpu.memory_space<hbm>>
      %dma_wait3A_38 = tpu.memref_squeeze %dma_wait3A_37 : memref<1x632x64xbf16, #tpu.memory_space<hbm>> -> memref<632x64xbf16, #tpu.memory_space<hbm>>
      %dma_wait3A_39 = arith.constant 0 : i32
      %dma_wait3A_40 = tpu.memref_slice %arg11[%mul3A_29, %dma_wait3A_39] : memref<10112x64xbf16, #tpu.memory_space<vmem_shared>> -> memref<632x64xbf16, #tpu.memory_space<vmem_shared>>
      tpu.wait_dma2 semaphore(%run_scoped3A : memref<!tpu.dma_semaphore, #tpu.memory_space<semaphore_mem>>) src(%dma_wait3A_40 : memref<632x64xbf16, #tpu.memory_space<vmem_shared>>) dst(%dma_wait3A_38 : memref<632x64xbf16, #tpu.memory_space<hbm>>)
      tpu.yield
    }) : () -> ()
    return
  }
}

module attributes {stable_mosaic.version = 14 : i64} {
  func.func @_mlp_body(%arg0: i32, %arg1: memref<2x1000x64xf32, #tpu.memory_space<vmem>>, %arg2: memref<2x1000x64xbf16, #tpu.memory_space<vmem>>, %arg3: memref<1x128xf32, #tpu.memory_space<vmem>>, %arg4: memref<128x128xf32, #tpu.memory_space<vmem>>, %arg5: memref<1x128xf32, #tpu.memory_space<vmem>>, %arg6: memref<128x128xf32, #tpu.memory_space<vmem>>, %arg7: memref<1x128xf32, #tpu.memory_space<vmem>>, %arg8: memref<1x128xf32, #tpu.memory_space<vmem>>, %arg9: memref<1x128xf32, #tpu.memory_space<vmem>>, %arg10: memref<2x1000x64xf32, #tpu.memory_space<vmem>>, %arg11: memref<2x1000x64xbf16, #tpu.memory_space<vmem>>) attributes {dimension_semantics = [#tpu.dimension_semantics<arbitrary>], iteration_bounds = array<i64: 10>, scalar_prefetch = 0 : i64, scratch_operands = 0 : i64, tpu.core_type = #tpu.core_type<tc>, window_params = [{transform_indices = @transform_0, window_bounds = array<i64: 2, 1000, 64>}, {transform_indices = @transform_1, window_bounds = array<i64: 2, 1000, 64>}, {pipeline_mode = #tpu.pipeline_mode<synchronous>, transform_indices = @transform_2, window_bounds = array<i64: 1, 128>}, {pipeline_mode = #tpu.pipeline_mode<synchronous>, transform_indices = @transform_3, window_bounds = array<i64: 128, 128>}, {pipeline_mode = #tpu.pipeline_mode<synchronous>, transform_indices = @transform_4, window_bounds = array<i64: 1, 128>}, {pipeline_mode = #tpu.pipeline_mode<synchronous>, transform_indices = @transform_5, window_bounds = array<i64: 128, 128>}, {pipeline_mode = #tpu.pipeline_mode<synchronous>, transform_indices = @transform_6, window_bounds = array<i64: 1, 128>}, {pipeline_mode = #tpu.pipeline_mode<synchronous>, transform_indices = @transform_7, window_bounds = array<i64: 1, 128>}, {pipeline_mode = #tpu.pipeline_mode<synchronous>, transform_indices = @transform_8, window_bounds = array<i64: 1, 128>}, {transform_indices = @transform_9, window_bounds = array<i64: 2, 1000, 64>}, {transform_indices = @transform_10, window_bounds = array<i64: 2, 1000, 64>}]} {
    %get3A = arith.constant 0 : index
    %get3A_0 = arith.constant 0 : index
    %get3A_1 = arith.constant 0 : index
    %get3A_2 = vector.load %arg1[%get3A, %get3A_0, %get3A_1] : memref<2x1000x64xf32, #tpu.memory_space<vmem>>, vector<1x1000x64xf32>
    %get3A_3 = vector.shape_cast %get3A_2 : vector<1x1000x64xf32> to vector<1000x64xf32>
    %get3A_4 = arith.constant 1 : index
    %get3A_5 = arith.constant 0 : index
    %get3A_6 = arith.constant 0 : index
    %get3A_7 = vector.load %arg1[%get3A_4, %get3A_5, %get3A_6] : memref<2x1000x64xf32, #tpu.memory_space<vmem>>, vector<1x1000x64xf32>
    %get3A_8 = vector.shape_cast %get3A_7 : vector<1x1000x64xf32> to vector<1000x64xf32>
    %concatenate3A = tpu.concatenate %get3A_3, %get3A_8 in 1 : vector<1000x64xf32>, vector<1000x64xf32> -> vector<1000x128xf32>
    %get3A_9 = arith.constant 0 : index
    %get3A_10 = arith.constant 0 : index
    %get3A_11 = arith.constant 0 : index
    %get3A_12 = vector.load %arg2[%get3A_9, %get3A_10, %get3A_11] : memref<2x1000x64xbf16, #tpu.memory_space<vmem>>, vector<1x1000x64xbf16>
    %get3A_13 = vector.shape_cast %get3A_12 : vector<1x1000x64xbf16> to vector<1000x64xbf16>
    %get3A_14 = arith.constant 1 : index
    %get3A_15 = arith.constant 0 : index
    %get3A_16 = arith.constant 0 : index
    %get3A_17 = vector.load %arg2[%get3A_14, %get3A_15, %get3A_16] : memref<2x1000x64xbf16, #tpu.memory_space<vmem>>, vector<1x1000x64xbf16>
    %get3A_18 = vector.shape_cast %get3A_17 : vector<1x1000x64xbf16> to vector<1000x64xbf16>
    %concatenate3A_19 = tpu.concatenate %get3A_13, %get3A_18 in 1 : vector<1000x64xbf16>, vector<1000x64xbf16> -> vector<1000x128xbf16>
    %convert_element_type3A = arith.extf %concatenate3A_19 : vector<1000x128xbf16> to vector<1000x128xf32>
    %get3A_20 = arith.constant 0 : index
    %get3A_21 = arith.constant 0 : index
    %get3A_22 = vector.load %arg3[%get3A_20, %get3A_21] : memref<1x128xf32, #tpu.memory_space<vmem>>, vector<1x128xf32>
    %mul3A = vector.broadcast %get3A_22 : vector<1x128xf32> to vector<1000x128xf32>
    %mul3A_23 = arith.mulf %concatenate3A, %mul3A : vector<1000x128xf32>
    %add3A = arith.addf %mul3A_23, %convert_element_type3A : vector<1000x128xf32>
    %get3A_24 = arith.constant 0 : index
    %get3A_25 = arith.constant 0 : index
    %get3A_26 = vector.load %arg4[%get3A_24, %get3A_25] : memref<128x128xf32, #tpu.memory_space<vmem>>, vector<128x128xf32>
    %dot_general3A = arith.constant dense<0.000000e+00> : vector<1000x128xf32>
    %dot_general3A_27 = tpu.matmul %add3A, %get3A_26, %dot_general3A {dimension_numbers = #tpu.dot_dimension_numbers<[1], [0], [0], [1], [0, 0, 1, 1], [], []>, transpose_lhs_hint = false} : vector<1000x128xf32>, vector<128x128xf32>, vector<1000x128xf32> -> vector<1000x128xf32>
    %get3A_28 = arith.constant 0 : index
    %get3A_29 = arith.constant 0 : index
    %get3A_30 = vector.load %arg5[%get3A_28, %get3A_29] : memref<1x128xf32, #tpu.memory_space<vmem>>, vector<1x128xf32>
    %add3A_31 = vector.broadcast %get3A_30 : vector<1x128xf32> to vector<1000x128xf32>
    %add3A_32 = arith.addf %dot_general3A_27, %add3A_31 : vector<1000x128xf32>
    %max3A = arith.constant 0.000000e+00 : f32
    %max3A_33 = vector.broadcast %max3A : f32 to vector<1000x128xf32>
    %max3A_34 = arith.maximumf %add3A_32, %max3A_33 : vector<1000x128xf32>
    %get3A_35 = arith.constant 0 : index
    %get3A_36 = arith.constant 0 : index
    %get3A_37 = vector.load %arg6[%get3A_35, %get3A_36] : memref<128x128xf32, #tpu.memory_space<vmem>>, vector<128x128xf32>
    %dot_general3A_38 = arith.constant dense<0.000000e+00> : vector<1000x128xf32>
    %dot_general3A_39 = tpu.matmul %max3A_34, %get3A_37, %dot_general3A_38 {dimension_numbers = #tpu.dot_dimension_numbers<[1], [0], [0], [1], [0, 0, 1, 1], [], []>, transpose_lhs_hint = false} : vector<1000x128xf32>, vector<128x128xf32>, vector<1000x128xf32> -> vector<1000x128xf32>
    %get3A_40 = arith.constant 0 : index
    %get3A_41 = arith.constant 0 : index
    %get3A_42 = vector.load %arg7[%get3A_40, %get3A_41] : memref<1x128xf32, #tpu.memory_space<vmem>>, vector<1x128xf32>
    %add3A_43 = vector.broadcast %get3A_42 : vector<1x128xf32> to vector<1000x128xf32>
    %add3A_44 = arith.addf %dot_general3A_39, %add3A_43 : vector<1000x128xf32>
    %max3A_45 = arith.constant 0.000000e+00 : f32
    %max3A_46 = vector.broadcast %max3A_45 : f32 to vector<1000x128xf32>
    %max3A_47 = arith.maximumf %add3A_44, %max3A_46 : vector<1000x128xf32>
    %get3A_48 = arith.constant 0 : index
    %get3A_49 = arith.constant 0 : index
    %get3A_50 = vector.load %arg8[%get3A_48, %get3A_49] : memref<1x128xf32, #tpu.memory_space<vmem>>, vector<1x128xf32>
    %mul3A_51 = vector.broadcast %get3A_50 : vector<1x128xf32> to vector<1000x128xf32>
    %mul3A_52 = arith.mulf %max3A_47, %mul3A_51 : vector<1000x128xf32>
    %get3A_53 = arith.constant 0 : index
    %get3A_54 = arith.constant 0 : index
    %get3A_55 = vector.load %arg9[%get3A_53, %get3A_54] : memref<1x128xf32, #tpu.memory_space<vmem>>, vector<1x128xf32>
    %add3A_56 = vector.broadcast %get3A_55 : vector<1x128xf32> to vector<1000x128xf32>
    %add3A_57 = arith.addf %mul3A_52, %add3A_56 : vector<1000x128xf32>
    %slice3A = vector.extract_strided_slice %add3A_57 {offsets = [0, 0], sizes = [1000, 64], strides = [1, 1]} : vector<1000x128xf32> to vector<1000x64xf32>
    %swap3A = arith.constant 0 : index
    %swap3A_58 = arith.constant 0 : index
    %swap3A_59 = arith.constant 0 : index
    %swap3A_60 = vector.load %arg10[%swap3A, %swap3A_58, %swap3A_59] : memref<2x1000x64xf32, #tpu.memory_space<vmem>>, vector<1x1000x64xf32>
    %swap3A_61 = vector.shape_cast %swap3A_60 : vector<1x1000x64xf32> to vector<1000x64xf32>
    %swap3A_62 = vector.shape_cast %slice3A : vector<1000x64xf32> to vector<1x1000x64xf32>
    tpu.vector_store %arg10[%swap3A, %swap3A_58, %swap3A_59], %swap3A_62 {strides = array<i32>} : memref<2x1000x64xf32, #tpu.memory_space<vmem>>, vector<1x1000x64xf32>,
    %slice3A_63 = vector.extract_strided_slice %add3A_57 {offsets = [0, 64], sizes = [1000, 64], strides = [1, 1]} : vector<1000x128xf32> to vector<1000x64xf32>
    %swap3A_64 = arith.constant 1 : index
    %swap3A_65 = arith.constant 0 : index
    %swap3A_66 = arith.constant 0 : index
    %swap3A_67 = vector.load %arg10[%swap3A_64, %swap3A_65, %swap3A_66] : memref<2x1000x64xf32, #tpu.memory_space<vmem>>, vector<1x1000x64xf32>
    %swap3A_68 = vector.shape_cast %swap3A_67 : vector<1x1000x64xf32> to vector<1000x64xf32>
    %swap3A_69 = vector.shape_cast %slice3A_63 : vector<1000x64xf32> to vector<1x1000x64xf32>
    tpu.vector_store %arg10[%swap3A_64, %swap3A_65, %swap3A_66], %swap3A_69 {strides = array<i32>} : memref<2x1000x64xf32, #tpu.memory_space<vmem>>, vector<1x1000x64xf32>,
    %convert_element_type3A_70 = arith.truncf %add3A_57 : vector<1000x128xf32> to vector<1000x128xbf16>
    %slice3A_71 = vector.extract_strided_slice %convert_element_type3A_70 {offsets = [0, 0], sizes = [1000, 64], strides = [1, 1]} : vector<1000x128xbf16> to vector<1000x64xbf16>
    %swap3A_72 = arith.constant 0 : index
    %swap3A_73 = arith.constant 0 : index
    %swap3A_74 = arith.constant 0 : index
    %swap3A_75 = vector.load %arg11[%swap3A_72, %swap3A_73, %swap3A_74] : memref<2x1000x64xbf16, #tpu.memory_space<vmem>>, vector<1x1000x64xbf16>
    %swap3A_76 = vector.shape_cast %swap3A_75 : vector<1x1000x64xbf16> to vector<1000x64xbf16>
    %swap3A_77 = vector.shape_cast %slice3A_71 : vector<1000x64xbf16> to vector<1x1000x64xbf16>
    tpu.vector_store %arg11[%swap3A_72, %swap3A_73, %swap3A_74], %swap3A_77 {strides = array<i32>} : memref<2x1000x64xbf16, #tpu.memory_space<vmem>>, vector<1x1000x64xbf16>,
    %slice3A_78 = vector.extract_strided_slice %convert_element_type3A_70 {offsets = [0, 64], sizes = [1000, 64], strides = [1, 1]} : vector<1000x128xbf16> to vector<1000x64xbf16>
    %swap3A_79 = arith.constant 1 : index
    %swap3A_80 = arith.constant 0 : index
    %swap3A_81 = arith.constant 0 : index
    %swap3A_82 = vector.load %arg11[%swap3A_79, %swap3A_80, %swap3A_81] : memref<2x1000x64xbf16, #tpu.memory_space<vmem>>, vector<1x1000x64xbf16>
    %swap3A_83 = vector.shape_cast %swap3A_82 : vector<1x1000x64xbf16> to vector<1000x64xbf16>
    %swap3A_84 = vector.shape_cast %slice3A_78 : vector<1000x64xbf16> to vector<1x1000x64xbf16>
    tpu.vector_store %arg11[%swap3A_79, %swap3A_80, %swap3A_81], %swap3A_84 {strides = array<i32>} : memref<2x1000x64xbf16, #tpu.memory_space<vmem>>, vector<1x1000x64xbf16>,
    return
  }
  func.func @transform_0(%arg0: i32) -> (i32, i32, i32) {
    %c0_i32 = arith.constant 0 : i32
    %c0_i32_0 = arith.constant 0 : i32
    %c0_i32_1 = arith.constant 0 : i32
    return %c0_i32, %arg0, %c0_i32_0 : i32, i32, i32
  }
  func.func @transform_1(%arg0: i32) -> (i32, i32, i32) {
    %c0_i32 = arith.constant 0 : i32
    %c0_i32_0 = arith.constant 0 : i32
    %c0_i32_1 = arith.constant 0 : i32
    return %c0_i32, %arg0, %c0_i32_0 : i32, i32, i32
  }
  func.func @transform_2(%arg0: i32) -> (i32, i32) {
    %c0_i32 = arith.constant 0 : i32
    %c0_i32_0 = arith.constant 0 : i32
    %c0_i32_1 = arith.constant 0 : i32
    return %c0_i32, %c0_i32_0 : i32, i32
  }
  func.func @transform_3(%arg0: i32) -> (i32, i32) {
    %c0_i32 = arith.constant 0 : i32
    %c0_i32_0 = arith.constant 0 : i32
    %c0_i32_1 = arith.constant 0 : i32
    return %c0_i32, %c0_i32_0 : i32, i32
  }
  func.func @transform_4(%arg0: i32) -> (i32, i32) {
    %c0_i32 = arith.constant 0 : i32
    %c0_i32_0 = arith.constant 0 : i32
    %c0_i32_1 = arith.constant 0 : i32
    return %c0_i32, %c0_i32_0 : i32, i32
  }
  func.func @transform_5(%arg0: i32) -> (i32, i32) {
    %c0_i32 = arith.constant 0 : i32
    %c0_i32_0 = arith.constant 0 : i32
    %c0_i32_1 = arith.constant 0 : i32
    return %c0_i32, %c0_i32_0 : i32, i32
  }
  func.func @transform_6(%arg0: i32) -> (i32, i32) {
    %c0_i32 = arith.constant 0 : i32
    %c0_i32_0 = arith.constant 0 : i32
    %c0_i32_1 = arith.constant 0 : i32
    return %c0_i32, %c0_i32_0 : i32, i32
  }
  func.func @transform_7(%arg0: i32) -> (i32, i32) {
    %c0_i32 = arith.constant 0 : i32
    %c0_i32_0 = arith.constant 0 : i32
    %c0_i32_1 = arith.constant 0 : i32
    return %c0_i32, %c0_i32_0 : i32, i32
  }
  func.func @transform_8(%arg0: i32) -> (i32, i32) {
    %c0_i32 = arith.constant 0 : i32
    %c0_i32_0 = arith.constant 0 : i32
    %c0_i32_1 = arith.constant 0 : i32
    return %c0_i32, %c0_i32_0 : i32, i32
  }
  func.func @transform_9(%arg0: i32) -> (i32, i32, i32) {
    %c0_i32 = arith.constant 0 : i32
    %c0_i32_0 = arith.constant 0 : i32
    %c0_i32_1 = arith.constant 0 : i32
    return %c0_i32, %arg0, %c0_i32_0 : i32, i32, i32
  }
  func.func @transform_10(%arg0: i32) -> (i32, i32, i32) {
    %c0_i32 = arith.constant 0 : i32
    %c0_i32_0 = arith.constant 0 : i32
    %c0_i32_1 = arith.constant 0 : i32
    return %c0_i32, %arg0, %c0_i32_0 : i32, i32, i32
  }
}

module attributes {stable_mosaic.version = 14 : i64} {
  func.func @_mlp_body(%arg0: i32, %arg1: memref<2x1000x64xf32, #tpu.memory_space<vmem>>, %arg2: memref<2x1000x64xbf16, #tpu.memory_space<vmem>>, %arg3: memref<1x128xf32, #tpu.memory_space<vmem>>, %arg4: memref<128x128xf32, #tpu.memory_space<vmem>>, %arg5: memref<1x128xf32, #tpu.memory_space<vmem>>, %arg6: memref<128x128xf32, #tpu.memory_space<vmem>>, %arg7: memref<1x128xf32, #tpu.memory_space<vmem>>, %arg8: memref<1x128xf32, #tpu.memory_space<vmem>>, %arg9: memref<1x128xf32, #tpu.memory_space<vmem>>, %arg10: memref<2x1000x64xf32, #tpu.memory_space<vmem>>, %arg11: memref<2x1000x64xbf16, #tpu.memory_space<vmem>>) attributes {dimension_semantics = [#tpu.dimension_semantics<arbitrary>], iteration_bounds = array<i64: 10>, scalar_prefetch = 0 : i64, scratch_operands = 0 : i64, tpu.core_type = #tpu.core_type<tc>, window_params = [{transform_indices = @transform_0, window_bounds = array<i64: 2, 1000, 64>}, {transform_indices = @transform_1, window_bounds = array<i64: 2, 1000, 64>}, {pipeline_mode = #tpu.pipeline_mode<synchronous>, transform_indices = @transform_2, window_bounds = array<i64: 1, 128>}, {pipeline_mode = #tpu.pipeline_mode<synchronous>, transform_indices = @transform_3, window_bounds = array<i64: 128, 128>}, {pipeline_mode = #tpu.pipeline_mode<synchronous>, transform_indices = @transform_4, window_bounds = array<i64: 1, 128>}, {pipeline_mode = #tpu.pipeline_mode<synchronous>, transform_indices = @transform_5, window_bounds = array<i64: 128, 128>}, {pipeline_mode = #tpu.pipeline_mode<synchronous>, transform_indices = @transform_6, window_bounds = array<i64: 1, 128>}, {pipeline_mode = #tpu.pipeline_mode<synchronous>, transform_indices = @transform_7, window_bounds = array<i64: 1, 128>}, {pipeline_mode = #tpu.pipeline_mode<synchronous>, transform_indices = @transform_8, window_bounds = array<i64: 1, 128>}, {transform_indices = @transform_9, window_bounds = array<i64: 2, 1000, 64>}, {transform_indices = @transform_10, window_bounds = array<i64: 2, 1000, 64>}]} {
    %get3A = arith.constant 0 : index
    %get3A_0 = arith.constant 0 : index
    %get3A_1 = arith.constant 0 : index
    %get3A_2 = vector.load %arg1[%get3A, %get3A_0, %get3A_1] : memref<2x1000x64xf32, #tpu.memory_space<vmem>>, vector<1x1000x64xf32>
    %get3A_3 = vector.shape_cast %get3A_2 : vector<1x1000x64xf32> to vector<1000x64xf32>
    %get3A_4 = arith.constant 1 : index
    %get3A_5 = arith.constant 0 : index
    %get3A_6 = arith.constant 0 : index
    %get3A_7 = vector.load %arg1[%get3A_4, %get3A_5, %get3A_6] : memref<2x1000x64xf32, #tpu.memory_space<vmem>>, vector<1x1000x64xf32>
    %get3A_8 = vector.shape_cast %get3A_7 : vector<1x1000x64xf32> to vector<1000x64xf32>
    %concatenate3A = tpu.concatenate %get3A_3, %get3A_8 in 1 : vector<1000x64xf32>, vector<1000x64xf32> -> vector<1000x128xf32>
    %get3A_9 = arith.constant 0 : index
    %get3A_10 = arith.constant 0 : index
    %get3A_11 = arith.constant 0 : index
    %get3A_12 = vector.load %arg2[%get3A_9, %get3A_10, %get3A_11] : memref<2x1000x64xbf16, #tpu.memory_space<vmem>>, vector<1x1000x64xbf16>
    %get3A_13 = vector.shape_cast %get3A_12 : vector<1x1000x64xbf16> to vector<1000x64xbf16>
    %get3A_14 = arith.constant 1 : index
    %get3A_15 = arith.constant 0 : index
    %get3A_16 = arith.constant 0 : index
    %get3A_17 = vector.load %arg2[%get3A_14, %get3A_15, %get3A_16] : memref<2x1000x64xbf16, #tpu.memory_space<vmem>>, vector<1x1000x64xbf16>
    %get3A_18 = vector.shape_cast %get3A_17 : vector<1x1000x64xbf16> to vector<1000x64xbf16>
    %concatenate3A_19 = tpu.concatenate %get3A_13, %get3A_18 in 1 : vector<1000x64xbf16>, vector<1000x64xbf16> -> vector<1000x128xbf16>
    %convert_element_type3A = arith.extf %concatenate3A_19 : vector<1000x128xbf16> to vector<1000x128xf32>
    %get3A_20 = arith.constant 0 : index
    %get3A_21 = arith.constant 0 : index
    %get3A_22 = vector.load %arg3[%get3A_20, %get3A_21] : memref<1x128xf32, #tpu.memory_space<vmem>>, vector<1x128xf32>
    %mul3A = vector.broadcast %get3A_22 : vector<1x128xf32> to vector<1000x128xf32>
    %mul3A_23 = arith.mulf %concatenate3A, %mul3A : vector<1000x128xf32>
    %add3A = arith.addf %mul3A_23, %convert_element_type3A : vector<1000x128xf32>
    %get3A_24 = arith.constant 0 : index
    %get3A_25 = arith.constant 0 : index
    %get3A_26 = vector.load %arg4[%get3A_24, %get3A_25] : memref<128x128xf32, #tpu.memory_space<vmem>>, vector<128x128xf32>
    %dot_general3A = arith.constant dense<0.000000e+00> : vector<1000x128xf32>
    %dot_general3A_27 = tpu.matmul %add3A, %get3A_26, %dot_general3A {dimension_numbers = #tpu.dot_dimension_numbers<[1], [0], [0], [1], [0, 0, 1, 1], [], []>, transpose_lhs_hint = false} : vector<1000x128xf32>, vector<128x128xf32>, vector<1000x128xf32> -> vector<1000x128xf32>
    %get3A_28 = arith.constant 0 : index
    %get3A_29 = arith.constant 0 : index
    %get3A_30 = vector.load %arg5[%get3A_28, %get3A_29] : memref<1x128xf32, #tpu.memory_space<vmem>>, vector<1x128xf32>
    %add3A_31 = vector.broadcast %get3A_30 : vector<1x128xf32> to vector<1000x128xf32>
    %add3A_32 = arith.addf %dot_general3A_27, %add3A_31 : vector<1000x128xf32>
    %max3A = arith.constant 0.000000e+00 : f32
    %max3A_33 = vector.broadcast %max3A : f32 to vector<1000x128xf32>
    %max3A_34 = arith.maximumf %add3A_32, %max3A_33 : vector<1000x128xf32>
    %get3A_35 = arith.constant 0 : index
    %get3A_36 = arith.constant 0 : index
    %get3A_37 = vector.load %arg6[%get3A_35, %get3A_36] : memref<128x128xf32, #tpu.memory_space<vmem>>, vector<128x128xf32>
    %dot_general3A_38 = arith.constant dense<0.000000e+00> : vector<1000x128xf32>
    %dot_general3A_39 = tpu.matmul %max3A_34, %get3A_37, %dot_general3A_38 {dimension_numbers = #tpu.dot_dimension_numbers<[1], [0], [0], [1], [0, 0, 1, 1], [], []>, transpose_lhs_hint = false} : vector<1000x128xf32>, vector<128x128xf32>, vector<1000x128xf32> -> vector<1000x128xf32>
    %get3A_40 = arith.constant 0 : index
    %get3A_41 = arith.constant 0 : index
    %get3A_42 = vector.load %arg7[%get3A_40, %get3A_41] : memref<1x128xf32, #tpu.memory_space<vmem>>, vector<1x128xf32>
    %add3A_43 = vector.broadcast %get3A_42 : vector<1x128xf32> to vector<1000x128xf32>
    %add3A_44 = arith.addf %dot_general3A_39, %add3A_43 : vector<1000x128xf32>
    %max3A_45 = arith.constant 0.000000e+00 : f32
    %max3A_46 = vector.broadcast %max3A_45 : f32 to vector<1000x128xf32>
    %max3A_47 = arith.maximumf %add3A_44, %max3A_46 : vector<1000x128xf32>
    %get3A_48 = arith.constant 0 : index
    %get3A_49 = arith.constant 0 : index
    %get3A_50 = vector.load %arg8[%get3A_48, %get3A_49] : memref<1x128xf32, #tpu.memory_space<vmem>>, vector<1x128xf32>
    %mul3A_51 = vector.broadcast %get3A_50 : vector<1x128xf32> to vector<1000x128xf32>
    %mul3A_52 = arith.mulf %max3A_47, %mul3A_51 : vector<1000x128xf32>
    %get3A_53 = arith.constant 0 : index
    %get3A_54 = arith.constant 0 : index
    %get3A_55 = vector.load %arg9[%get3A_53, %get3A_54] : memref<1x128xf32, #tpu.memory_space<vmem>>, vector<1x128xf32>
    %add3A_56 = vector.broadcast %get3A_55 : vector<1x128xf32> to vector<1000x128xf32>
    %add3A_57 = arith.addf %mul3A_52, %add3A_56 : vector<1000x128xf32>
    %slice3A = vector.extract_strided_slice %add3A_57 {offsets = [0, 0], sizes = [1000, 64], strides = [1, 1]} : vector<1000x128xf32> to vector<1000x64xf32>
    %swap3A = arith.constant 0 : index
    %swap3A_58 = arith.constant 0 : index
    %swap3A_59 = arith.constant 0 : index
    %swap3A_60 = vector.load %arg10[%swap3A, %swap3A_58, %swap3A_59] : memref<2x1000x64xf32, #tpu.memory_space<vmem>>, vector<1x1000x64xf32>
    %swap3A_61 = vector.shape_cast %swap3A_60 : vector<1x1000x64xf32> to vector<1000x64xf32>
    %swap3A_62 = vector.shape_cast %slice3A : vector<1000x64xf32> to vector<1x1000x64xf32>
    tpu.vector_store %arg10[%swap3A, %swap3A_58, %swap3A_59], %swap3A_62 {strides = array<i32>} : memref<2x1000x64xf32, #tpu.memory_space<vmem>>, vector<1x1000x64xf32>,
    %slice3A_63 = vector.extract_strided_slice %add3A_57 {offsets = [0, 64], sizes = [1000, 64], strides = [1, 1]} : vector<1000x128xf32> to vector<1000x64xf32>
    %swap3A_64 = arith.constant 1 : index
    %swap3A_65 = arith.constant 0 : index
    %swap3A_66 = arith.constant 0 : index
    %swap3A_67 = vector.load %arg10[%swap3A_64, %swap3A_65, %swap3A_66] : memref<2x1000x64xf32, #tpu.memory_space<vmem>>, vector<1x1000x64xf32>
    %swap3A_68 = vector.shape_cast %swap3A_67 : vector<1x1000x64xf32> to vector<1000x64xf32>
    %swap3A_69 = vector.shape_cast %slice3A_63 : vector<1000x64xf32> to vector<1x1000x64xf32>
    tpu.vector_store %arg10[%swap3A_64, %swap3A_65, %swap3A_66], %swap3A_69 {strides = array<i32>} : memref<2x1000x64xf32, #tpu.memory_space<vmem>>, vector<1x1000x64xf32>,
    %convert_element_type3A_70 = arith.truncf %add3A_57 : vector<1000x128xf32> to vector<1000x128xbf16>
    %slice3A_71 = vector.extract_strided_slice %convert_element_type3A_70 {offsets = [0, 0], sizes = [1000, 64], strides = [1, 1]} : vector<1000x128xbf16> to vector<1000x64xbf16>
    %swap3A_72 = arith.constant 0 : index
    %swap3A_73 = arith.constant 0 : index
    %swap3A_74 = arith.constant 0 : index
    %swap3A_75 = vector.load %arg11[%swap3A_72, %swap3A_73, %swap3A_74] : memref<2x1000x64xbf16, #tpu.memory_space<vmem>>, vector<1x1000x64xbf16>
    %swap3A_76 = vector.shape_cast %swap3A_75 : vector<1x1000x64xbf16> to vector<1000x64xbf16>
    %swap3A_77 = vector.shape_cast %slice3A_71 : vector<1000x64xbf16> to vector<1x1000x64xbf16>
    tpu.vector_store %arg11[%swap3A_72, %swap3A_73, %swap3A_74], %swap3A_77 {strides = array<i32>} : memref<2x1000x64xbf16, #tpu.memory_space<vmem>>, vector<1x1000x64xbf16>,
    %slice3A_78 = vector.extract_strided_slice %convert_element_type3A_70 {offsets = [0, 64], sizes = [1000, 64], strides = [1, 1]} : vector<1000x128xbf16> to vector<1000x64xbf16>
    %swap3A_79 = arith.constant 1 : index
    %swap3A_80 = arith.constant 0 : index
    %swap3A_81 = arith.constant 0 : index
    %swap3A_82 = vector.load %arg11[%swap3A_79, %swap3A_80, %swap3A_81] : memref<2x1000x64xbf16, #tpu.memory_space<vmem>>, vector<1x1000x64xbf16>
    %swap3A_83 = vector.shape_cast %swap3A_82 : vector<1x1000x64xbf16> to vector<1000x64xbf16>
    %swap3A_84 = vector.shape_cast %slice3A_78 : vector<1000x64xbf16> to vector<1x1000x64xbf16>
    tpu.vector_store %arg11[%swap3A_79, %swap3A_80, %swap3A_81], %swap3A_84 {strides = array<i32>} : memref<2x1000x64xbf16, #tpu.memory_space<vmem>>, vector<1x1000x64xbf16>,
    return
  }
  func.func @transform_0(%arg0: i32) -> (i32, i32, i32) {
    %c0_i32 = arith.constant 0 : i32
    %c0_i32_0 = arith.constant 0 : i32
    %c0_i32_1 = arith.constant 0 : i32
    return %c0_i32, %arg0, %c0_i32_0 : i32, i32, i32
  }
  func.func @transform_1(%arg0: i32) -> (i32, i32, i32) {
    %c0_i32 = arith.constant 0 : i32
    %c0_i32_0 = arith.constant 0 : i32
    %c0_i32_1 = arith.constant 0 : i32
    return %c0_i32, %arg0, %c0_i32_0 : i32, i32, i32
  }
  func.func @transform_2(%arg0: i32) -> (i32, i32) {
    %c0_i32 = arith.constant 0 : i32
    %c0_i32_0 = arith.constant 0 : i32
    %c0_i32_1 = arith.constant 0 : i32
    return %c0_i32, %c0_i32_0 : i32, i32
  }
  func.func @transform_3(%arg0: i32) -> (i32, i32) {
    %c0_i32 = arith.constant 0 : i32
    %c0_i32_0 = arith.constant 0 : i32
    %c0_i32_1 = arith.constant 0 : i32
    return %c0_i32, %c0_i32_0 : i32, i32
  }
  func.func @transform_4(%arg0: i32) -> (i32, i32) {
    %c0_i32 = arith.constant 0 : i32
    %c0_i32_0 = arith.constant 0 : i32
    %c0_i32_1 = arith.constant 0 : i32
    return %c0_i32, %c0_i32_0 : i32, i32
  }
  func.func @transform_5(%arg0: i32) -> (i32, i32) {
    %c0_i32 = arith.constant 0 : i32
    %c0_i32_0 = arith.constant 0 : i32
    %c0_i32_1 = arith.constant 0 : i32
    return %c0_i32, %c0_i32_0 : i32, i32
  }
  func.func @transform_6(%arg0: i32) -> (i32, i32) {
    %c0_i32 = arith.constant 0 : i32
    %c0_i32_0 = arith.constant 0 : i32
    %c0_i32_1 = arith.constant 0 : i32
    return %c0_i32, %c0_i32_0 : i32, i32
  }
  func.func @transform_7(%arg0: i32) -> (i32, i32) {
    %c0_i32 = arith.constant 0 : i32
    %c0_i32_0 = arith.constant 0 : i32
    %c0_i32_1 = arith.constant 0 : i32
    return %c0_i32, %c0_i32_0 : i32, i32
  }
  func.func @transform_8(%arg0: i32) -> (i32, i32) {
    %c0_i32 = arith.constant 0 : i32
    %c0_i32_0 = arith.constant 0 : i32
    %c0_i32_1 = arith.constant 0 : i32
    return %c0_i32, %c0_i32_0 : i32, i32
  }
  func.func @transform_9(%arg0: i32) -> (i32, i32, i32) {
    %c0_i32 = arith.constant 0 : i32
    %c0_i32_0 = arith.constant 0 : i32
    %c0_i32_1 = arith.constant 0 : i32
    return %c0_i32, %arg0, %c0_i32_0 : i32, i32, i32
  }
  func.func @transform_10(%arg0: i32) -> (i32, i32, i32) {
    %c0_i32 = arith.constant 0 : i32
    %c0_i32_0 = arith.constant 0 : i32
    %c0_i32_1 = arith.constant 0 : i32
    return %c0_i32, %arg0, %c0_i32_0 : i32, i32, i32
  }
}

module attributes {stable_mosaic.version = 14 : i64} {
  func.func @_head_body(%arg0: i32, %arg1: memref<2x1000x64xf32, #tpu.memory_space<vmem>>, %arg2: memref<1x1x1000xi32, #tpu.memory_space<vmem>>, %arg3: memref<128x128xf32, #tpu.memory_space<vmem>>, %arg4: memref<1x128xf32, #tpu.memory_space<vmem>>, %arg5: memref<128x10xf32, #tpu.memory_space<vmem>>, %arg6: memref<1x10xf32, #tpu.memory_space<vmem>>, %arg7: memref<64x10xf32, #tpu.memory_space<vmem>>, %arg8: memref<64x128xf32, #tpu.memory_space<vmem>>, %arg9: memref<64x128xf32, #tpu.memory_space<vmem>>) attributes {dimension_semantics = [#tpu.dimension_semantics<arbitrary>], iteration_bounds = array<i64: 10>, scalar_prefetch = 0 : i64, scratch_operands = 2 : i64, tpu.core_type = #tpu.core_type<tc>, window_params = [{transform_indices = @transform_0, window_bounds = array<i64: 2, 1000, 64>}, {transform_indices = @transform_1, window_bounds = array<i64: 1, 1, 1000>}, {pipeline_mode = #tpu.pipeline_mode<synchronous>, transform_indices = @transform_2, window_bounds = array<i64: 128, 128>}, {pipeline_mode = #tpu.pipeline_mode<synchronous>, transform_indices = @transform_3, window_bounds = array<i64: 1, 128>}, {pipeline_mode = #tpu.pipeline_mode<synchronous>, transform_indices = @transform_4, window_bounds = array<i64: 128, 10>}, {pipeline_mode = #tpu.pipeline_mode<synchronous>, transform_indices = @transform_5, window_bounds = array<i64: 1, 10>}, {pipeline_mode = #tpu.pipeline_mode<synchronous>, transform_indices = @transform_6, window_bounds = array<i64: 64, 10>}]} {
    %eq3A = arith.constant 0 : i32
    %eq3A_0 = arith.cmpi eq, %arg0, %eq3A : i32
    %convert_element_type3A = arith.extui %eq3A_0 : i1 to i32
    %cond3A = arith.constant 0 : i32
    %cond3A_1 = arith.cmpi ne, %convert_element_type3A, %cond3A : i32
    scf.if %cond3A_1 {
      %broadcast_in_dim3A_42 = arith.constant 0.000000e+00 : f32
      %broadcast_in_dim3A_43 = vector.broadcast %broadcast_in_dim3A_42 : f32 to vector<64x128xf32>
      %swap3A_44 = arith.constant 0 : index
      %swap3A_45 = arith.constant 0 : index
      %swap3A_46 = vector.load %arg8[%swap3A_44, %swap3A_45] : memref<64x128xf32, #tpu.memory_space<vmem>>, vector<64x128xf32>
      tpu.vector_store %arg8[%swap3A_44, %swap3A_45], %broadcast_in_dim3A_43 {strides = array<i32>} : memref<64x128xf32, #tpu.memory_space<vmem>>, vector<64x128xf32>,
      %broadcast_in_dim3A_47 = arith.constant 0.000000e+00 : f32
      %broadcast_in_dim3A_48 = vector.broadcast %broadcast_in_dim3A_47 : f32 to vector<64x128xf32>
      %swap3A_49 = arith.constant 0 : index
      %swap3A_50 = arith.constant 0 : index
      %swap3A_51 = vector.load %arg9[%swap3A_49, %swap3A_50] : memref<64x128xf32, #tpu.memory_space<vmem>>, vector<64x128xf32>
      tpu.vector_store %arg9[%swap3A_49, %swap3A_50], %broadcast_in_dim3A_48 {strides = array<i32>} : memref<64x128xf32, #tpu.memory_space<vmem>>, vector<64x128xf32>,
    } else {
    }
    %get3A = arith.constant 0 : index
    %get3A_2 = arith.constant 0 : index
    %get3A_3 = arith.constant 0 : index
    %get3A_4 = vector.load %arg1[%get3A, %get3A_2, %get3A_3] : memref<2x1000x64xf32, #tpu.memory_space<vmem>>, vector<1x1000x64xf32>
    %get3A_5 = vector.shape_cast %get3A_4 : vector<1x1000x64xf32> to vector<1000x64xf32>
    %get3A_6 = arith.constant 1 : index
    %get3A_7 = arith.constant 0 : index
    %get3A_8 = arith.constant 0 : index
    %get3A_9 = vector.load %arg1[%get3A_6, %get3A_7, %get3A_8] : memref<2x1000x64xf32, #tpu.memory_space<vmem>>, vector<1x1000x64xf32>
    %get3A_10 = vector.shape_cast %get3A_9 : vector<1x1000x64xf32> to vector<1000x64xf32>
    %concatenate3A = tpu.concatenate %get3A_5, %get3A_10 in 1 : vector<1000x64xf32>, vector<1000x64xf32> -> vector<1000x128xf32>
    %get3A_11 = arith.constant 0 : index
    %get3A_12 = arith.constant 0 : index
    %get3A_13 = arith.constant 0 : index
    %get3A_14 = vector.load %arg2[%get3A_11, %get3A_12, %get3A_13] : memref<1x1x1000xi32, #tpu.memory_space<vmem>>, vector<1x1x1000xi32>
    %get3A_15 = vector.shape_cast %get3A_14 : vector<1x1x1000xi32> to vector<1000xi32>
    %broadcast_in_dim3A = vector.shape_cast %get3A_15 : vector<1000xi32> to vector<1000x1xi32>
    %iota3A = tpu.iota {dimensions = array<i32: 1>} : vector<1000x64xi32>
    %eq3A_16 = vector.broadcast %broadcast_in_dim3A : vector<1000x1xi32> to vector<1000x64xi32>
    %eq3A_17 = arith.cmpi eq, %eq3A_16, %iota3A : vector<1000x64xi32>
    %convert_element_type3A_18 = arith.extui %eq3A_17 : vector<1000x64xi1> to vector<1000x64xi32>
    %convert_element_type3A_19 = arith.sitofp %convert_element_type3A_18 : vector<1000x64xi32> to vector<1000x64xf32>
    %get3A_20 = arith.constant 0 : index
    %get3A_21 = arith.constant 0 : index
    %get3A_22 = vector.load %arg8[%get3A_20, %get3A_21] : memref<64x128xf32, #tpu.memory_space<vmem>>, vector<64x128xf32>
    %dot_general3A = arith.constant dense<0.000000e+00> : vector<64x128xf32>
    %dot_general3A_23 = tpu.matmul %convert_element_type3A_19, %concatenate3A, %dot_general3A {dimension_numbers = #tpu.dot_dimension_numbers<[0], [0], [1], [1], [0, 1, 1, 1], [], []>, transpose_lhs_hint = false} : vector<1000x64xf32>, vector<1000x128xf32>, vector<64x128xf32> -> vector<64x128xf32>
    %add3A = arith.addf %get3A_22, %dot_general3A_23 : vector<64x128xf32>
    %swap3A = arith.constant 0 : index
    %swap3A_24 = arith.constant 0 : index
    %swap3A_25 = vector.load %arg8[%swap3A, %swap3A_24] : memref<64x128xf32, #tpu.memory_space<vmem>>, vector<64x128xf32>
    tpu.vector_store %arg8[%swap3A, %swap3A_24], %add3A {strides = array<i32>} : memref<64x128xf32, #tpu.memory_space<vmem>>, vector<64x128xf32>,
    %get3A_26 = arith.constant 0 : index
    %get3A_27 = arith.constant 0 : index
    %get3A_28 = vector.load %arg9[%get3A_26, %get3A_27] : memref<64x128xf32, #tpu.memory_space<vmem>>, vector<64x128xf32>
    %broadcast_in_dim3A_29 = arith.constant 1.000000e+00 : f32
    %broadcast_in_dim3A_30 = vector.broadcast %broadcast_in_dim3A_29 : f32 to vector<1000x128xf32>
    %dot_general3A_31 = arith.constant dense<0.000000e+00> : vector<64x128xf32>
    %dot_general3A_32 = tpu.matmul %convert_element_type3A_19, %broadcast_in_dim3A_30, %dot_general3A_31 {dimension_numbers = #tpu.dot_dimension_numbers<[0], [0], [1], [1], [0, 1, 1, 1], [], []>, transpose_lhs_hint = false} : vector<1000x64xf32>, vector<1000x128xf32>, vector<64x128xf32> -> vector<64x128xf32>
    %add3A_33 = arith.addf %get3A_28, %dot_general3A_32 : vector<64x128xf32>
    %swap3A_34 = arith.constant 0 : index
    %swap3A_35 = arith.constant 0 : index
    %swap3A_36 = vector.load %arg9[%swap3A_34, %swap3A_35] : memref<64x128xf32, #tpu.memory_space<vmem>>, vector<64x128xf32>
    tpu.vector_store %arg9[%swap3A_34, %swap3A_35], %add3A_33 {strides = array<i32>} : memref<64x128xf32, #tpu.memory_space<vmem>>, vector<64x128xf32>,
    %eq3A_37 = arith.constant 9 : i32
    %eq3A_38 = arith.cmpi eq, %arg0, %eq3A_37 : i32
    %convert_element_type3A_39 = arith.extui %eq3A_38 : i1 to i32
    %cond3A_40 = arith.constant 0 : i32
    %cond3A_41 = arith.cmpi ne, %convert_element_type3A_39, %cond3A_40 : i32
    scf.if %cond3A_41 {
      %get3A_42 = arith.constant 0 : index
      %get3A_43 = arith.constant 0 : index
      %get3A_44 = vector.load %arg8[%get3A_42, %get3A_43] : memref<64x128xf32, #tpu.memory_space<vmem>>, vector<64x128xf32>
      %get3A_45 = arith.constant 0 : index
      %get3A_46 = arith.constant 0 : index
      %get3A_47 = vector.load %arg9[%get3A_45, %get3A_46] : memref<64x128xf32, #tpu.memory_space<vmem>>, vector<64x128xf32>
      %max3A = arith.constant 1.000000e+00 : f32
      %max3A_48 = vector.broadcast %max3A : f32 to vector<64x128xf32>
      %max3A_49 = arith.maximumf %get3A_47, %max3A_48 : vector<64x128xf32>
      %div3A = arith.divf %get3A_44, %max3A_49 : vector<64x128xf32>
      %get3A_50 = arith.constant 0 : index
      %get3A_51 = arith.constant 0 : index
      %get3A_52 = vector.load %arg3[%get3A_50, %get3A_51] : memref<128x128xf32, #tpu.memory_space<vmem>>, vector<128x128xf32>
      %dot_general3A_53 = arith.constant dense<0.000000e+00> : vector<64x128xf32>
      %dot_general3A_54 = tpu.matmul %div3A, %get3A_52, %dot_general3A_53 {dimension_numbers = #tpu.dot_dimension_numbers<[1], [0], [0], [1], [0, 0, 1, 1], [], []>, transpose_lhs_hint = false} : vector<64x128xf32>, vector<128x128xf32>, vector<64x128xf32> -> vector<64x128xf32>
      %get3A_55 = arith.constant 0 : index
      %get3A_56 = arith.constant 0 : index
      %get3A_57 = vector.load %arg4[%get3A_55, %get3A_56] : memref<1x128xf32, #tpu.memory_space<vmem>>, vector<1x128xf32>
      %add3A_58 = vector.broadcast %get3A_57 : vector<1x128xf32> to vector<64x128xf32>
      %add3A_59 = arith.addf %dot_general3A_54, %add3A_58 : vector<64x128xf32>
      %max3A_60 = arith.constant 0.000000e+00 : f32
      %max3A_61 = vector.broadcast %max3A_60 : f32 to vector<64x128xf32>
      %max3A_62 = arith.maximumf %add3A_59, %max3A_61 : vector<64x128xf32>
      %get3A_63 = arith.constant 0 : index
      %get3A_64 = arith.constant 0 : index
      %get3A_65 = vector.load %arg5[%get3A_63, %get3A_64] : memref<128x10xf32, #tpu.memory_space<vmem>>, vector<128x10xf32>
      %dot_general3A_66 = arith.constant dense<0.000000e+00> : vector<64x10xf32>
      %dot_general3A_67 = tpu.matmul %max3A_62, %get3A_65, %dot_general3A_66 {dimension_numbers = #tpu.dot_dimension_numbers<[1], [0], [0], [1], [0, 0, 1, 1], [], []>, transpose_lhs_hint = false} : vector<64x128xf32>, vector<128x10xf32>, vector<64x10xf32> -> vector<64x10xf32>
      %get3A_68 = arith.constant 0 : index
      %get3A_69 = arith.constant 0 : index
      %get3A_70 = vector.load %arg6[%get3A_68, %get3A_69] : memref<1x10xf32, #tpu.memory_space<vmem>>, vector<1x10xf32>
      %add3A_71 = vector.broadcast %get3A_70 : vector<1x10xf32> to vector<64x10xf32>
      %add3A_72 = arith.addf %dot_general3A_67, %add3A_71 : vector<64x10xf32>
      %reduce_max3A = arith.constant dense<0xFF800000> : vector<64xf32>
      %reduce_max3A_73 = vector.multi_reduction <maximumf>, %add3A_72, %reduce_max3A [1] : vector<64x10xf32> to vector<64xf32>
      %broadcast_in_dim3A_74 = vector.shape_cast %reduce_max3A_73 : vector<64xf32> to vector<64x1xf32>
      %sub3A = vector.broadcast %broadcast_in_dim3A_74 : vector<64x1xf32> to vector<64x10xf32>
      %sub3A_75 = arith.subf %add3A_72, %sub3A : vector<64x10xf32>
      %exp3A = math.exp %sub3A_75 : vector<64x10xf32>
      %reduce_sum3A = arith.constant dense<0.000000e+00> : vector<64xf32>
      %reduce_sum3A_76 = vector.multi_reduction <add>, %exp3A, %reduce_sum3A [1] : vector<64x10xf32> to vector<64xf32>
      %broadcast_in_dim3A_77 = vector.shape_cast %reduce_sum3A_76 : vector<64xf32> to vector<64x1xf32>
      %log3A = math.log %broadcast_in_dim3A_77 : vector<64x1xf32>
      %add3A_78 = arith.addf %log3A, %broadcast_in_dim3A_74 : vector<64x1xf32>
      %sub3A_79 = vector.broadcast %add3A_78 : vector<64x1xf32> to vector<64x10xf32>
      %sub3A_80 = arith.subf %add3A_72, %sub3A_79 : vector<64x10xf32>
      %swap3A_81 = arith.constant 0 : index
      %swap3A_82 = arith.constant 0 : index
      %swap3A_83 = vector.load %arg7[%swap3A_81, %swap3A_82] : memref<64x10xf32, #tpu.memory_space<vmem>>, vector<64x10xf32>
      tpu.vector_store %arg7[%swap3A_81, %swap3A_82], %sub3A_80 {strides = array<i32>} : memref<64x10xf32, #tpu.memory_space<vmem>>, vector<64x10xf32>,
    } else {
    }
    return
  }
  func.func @transform_0(%arg0: i32) -> (i32, i32, i32) {
    %c0_i32 = arith.constant 0 : i32
    %c0_i32_0 = arith.constant 0 : i32
    %c0_i32_1 = arith.constant 0 : i32
    return %c0_i32, %arg0, %c0_i32_0 : i32, i32, i32
  }
  func.func @transform_1(%arg0: i32) -> (i32, i32, i32) {
    %c0_i32 = arith.constant 0 : i32
    %c0_i32_0 = arith.constant 0 : i32
    %c0_i32_1 = arith.constant 0 : i32
    return %arg0, %c0_i32, %c0_i32_0 : i32, i32, i32
  }
  func.func @transform_2(%arg0: i32) -> (i32, i32) {
    %c0_i32 = arith.constant 0 : i32
    %c0_i32_0 = arith.constant 0 : i32
    %c0_i32_1 = arith.constant 0 : i32
    return %c0_i32, %c0_i32_0 : i32, i32
  }
  func.func @transform_3(%arg0: i32) -> (i32, i32) {
    %c0_i32 = arith.constant 0 : i32
    %c0_i32_0 = arith.constant 0 : i32
    %c0_i32_1 = arith.constant 0 : i32
    return %c0_i32, %c0_i32_0 : i32, i32
  }
  func.func @transform_4(%arg0: i32) -> (i32, i32) {
    %c0_i32 = arith.constant 0 : i32
    %c0_i32_0 = arith.constant 0 : i32
    %c0_i32_1 = arith.constant 0 : i32
    return %c0_i32, %c0_i32_0 : i32, i32
  }
  func.func @transform_5(%arg0: i32) -> (i32, i32) {
    %c0_i32 = arith.constant 0 : i32
    %c0_i32_0 = arith.constant 0 : i32
    %c0_i32_1 = arith.constant 0 : i32
    return %c0_i32, %c0_i32_0 : i32, i32
  }
  func.func @transform_6(%arg0: i32) -> (i32, i32) {
    %c0_i32 = arith.constant 0 : i32
    %c0_i32_0 = arith.constant 0 : i32
    %c0_i32_1 = arith.constant 0 : i32
    return %c0_i32, %c0_i32_0 : i32, i32
  }
}

</mosaic_0001>

<sc_bundles>
// kernel: kernel.12.cloned.1.call-start
scs
__scs_entry_jumppad:
0x0: {  	(pc) =	sbr.rel $0x88, $3  }
0x1: {  	(tag) =	ssettag $0x0;
	lr =	simm.s32 $0x1  }
0x2: {  	[smem:$0x3F85] =	sst lr;
	_ =	strace $0xD0000000  }
0x3: {  	_ = 	snop  }
0x4: {  	_ = 	snop  }
0x5: {  	_ = 	snop  }
0x6: {  	_ = 	snop  }
0x7: {  	_ = 	snop  }
__scs_overlays_trampoline_lowered:
0x8: {  	[smem:$0x3F94] =	sst s0  }
0x9: {  	[smem:$0x3F95] =	sst s1  }
0xa: {  	[smem:$0x3F96] =	sst s2  }
0xb: {  	[smem:$0x3F97] =	sst s3  }
0xc: {  	[smem:$0x3F98] =	sst s4  }
0xd: {  	[smem:$0x3F99] =	sst s5  }
0xe: {  	[smem:$0x3F9A] =	sst s6  }
0xf: {  	[smem:$0x3F9B] =	sst s7  }
0x10: {  	[smem:$0x3F9C] =	sst s8  }
0x11: {  	[smem:$0x3F9D] =	sst s9;
	s0 =	simm.s32 @!p0 $0x0  }
0x12: {  	s1 =	sld [smem:$0x3F83];
	s0 =	simm.s32 @p0 $0x1  }
0x13: {  	[smem:$0x3F9E] =	sst s0;
	s0 =	simm.s32 @!p1 $0x0  }
0x14: {  	s2 =	sld [smem:$0x3F82];
	s0 =	simm.s32 @p1 $0x1  }
0x15: {  	[smem:$0x3F9F] =	sst s0;
	s0 =	simm.s32 @!p2 $0x0  }
0x16: {  	s3 =	sld [smem:$0x3FDB];
	s0 =	simm.s32 @p2 $0x1  }
0x17: {  	s4 =	simm.s32 $0x1BF5;
	[smem:$0x3FA1] =	sst s0  }
0x18: {  	s0 =	sld [smem:$0x3F84];
	_ =	swait.ge [sflag:s4], $0x0  }
0x19: {  	s7 =	sld [smem:$0x3F85]  }
0x1a: {  	s8 =	sadd.s32 $0xFFFFE003, lr  }
0x1b: {  	s9 =	sadd.s32 $0xFFFFFEF7, lr;
	s5 =	simm.s32 $0xFFFFFFFF;
	p2 =	slt.u32 s8, $0xFFFFF086  }
0x1c: {  	p1 =	slt.u32 s9, $0xF7A;
	s5 =	simm.s32 @!p2 $0x0  }
0x1d: {  	s5 =	simm.s32 @p1 $0x1;
	p0 =	seq.s32 s7, s2  }
0x1e: {  	s7 =	smul.u32 @!p0 $0xF7A, s2;
	p2 =	seq.s32 @!p0 s5, $0x0  }
0x1f: {  	s9 =	smul.u32 $0xF7A, s1;
	s8 =	simm.s32 @!p0 $0x1BF5;
	p2 =	por !p2, p0  }
0x20: {  	[sflag:s8] =	ssyncset.s32 @!p0 $0xFFFFF086;
	s6 =	sadd.s32 @!p0 s3, s7;
	s7 =	simm.s32 @!p0 $0x108  }
0x21: {  	s3 =	sadd.s32 s3, s9;
	s6 =	sadd.s32 @!p0 $0x88, s6;
	s7 =	simm.s32 @p2 $0x1082  }
0x22: {  	[simem:s7], [sflag:s8] =	dma.local @!p0 [hbm:s6], $0xF7A  }
0x23: {  	s9 =	sor.u32 $0xD0000000, s2;
	s6 =	simm.s32 $0x108;
	_ =	swait.ge @!p0 [sflag:s8], $0x0  }
0x24: {  	s3 =	sadd.s32 $0x88, s3;
	s6 =	simm.s32 @!p1 $0x1082;
	[sflag:s4] =	ssyncset.s32 $0xFFFFF086  }
0x25: {  	[simem:s6], [sflag:s4] =	dma.local [hbm:s3], $0xF7A  }
0x26: {  	[smem:$0x3F85] =	sst s1;
	(tag) =	ssettag s2;
	_ =	strace s9  }
0x27: {  	s1 =	sld [smem:$0x3F95]  }
0x28: {  	s2 =	sld [smem:$0x3F96]  }
0x29: {  	s4 =	sld [smem:$0x3F98]  }
0x2a: {  	p0 =	seq.s32 s5, $0x0;
	s5 =	sld [smem:$0x3F99]  }
0x2b: {  	s6 =	sld [smem:$0x3F9A]  }
0x2c: {  	s7 =	sld [smem:$0x3F9B]  }
0x2d: {  	s3 =	simm.s32 $0x108;
	s8 =	sld [smem:$0x3F9C]  }
0x2e: {  	s3 =	simm.s32 @!p0 $0x1082;
	s9 =	sld [smem:$0x3F9D]  }
0x2f: {  	lr =	sadd.s32 s0, s3;
	s0 =	sld [smem:$0x3F94]  }
0x30: {  	s3 =	sld [smem:$0x3F97]  }
0x31: {  	[smem:$0x3FA0] =	sst s10  }
0x32: {  	s10 =	sld [smem:$0x3F9E];
	_ =	sdelay $0x3  }
0x33: {  	p0 =	seq.s32 s10, $0x1;
	s10 =	sld [smem:$0x3FA0];
	_ =	sdelay $0x3  }
0x34: {  	[smem:$0x3FA0] =	sst s10  }
0x35: {  	s10 =	sld [smem:$0x3F9F];
	_ =	sdelay $0x3  }
0x36: {  	p1 =	seq.s32 s10, $0x1;
	s10 =	sld [smem:$0x3FA0];
	_ =	sdelay $0x3  }
0x37: {  	[smem:$0x3FA0] =	sst s10  }
0x38: {  	s10 =	sld [smem:$0x3FA1]  }
0x39: {  	_ = 	snop;
	(pc) =	sbr.ind lr, $3  }
0x3a: {  	_ = 	snop  }
0x3b: {  	_ = 	snop  }
0x3c: {  	p2 =	seq.s32 s10, $0x1;
	s10 =	sld [smem:$0x3FA0]  }
0x3d: {  	_ =	shalt  }
0x3e: {  	_ =	shalt  }
0x3f: {  	_ =	shalt  }
0x40: {  	_ =	shalt  }
0x41: {  	_ =	shalt  }
0x42: {  	_ =	shalt  }
0x43: {  	_ =	shalt  }
0x44: {  	_ =	shalt  }
0x45: {  	_ =	shalt  }
0x46: {  	_ =	shalt  }
0x47: {  	_ =	shalt  }
0x48: {  	_ =	shalt  }
0x49: {  	_ =	shalt  }
0x4a: {  	_ =	shalt  }
0x4b: {  	_ =	shalt  }
0x4c: {  	_ =	shalt  }
0x4d: {  	_ =	shalt  }
0x4e: {  	_ =	shalt  }
0x4f: {  	_ =	shalt  }
0x50: {  	_ =	shalt  }
0x51: {  	_ =	shalt  }
0x52: {  	_ =	shalt  }
0x53: {  	_ =	shalt  }
0x54: {  	_ =	shalt  }
0x55: {  	_ =	shalt  }
0x56: {  	_ =	shalt  }
0x57: {  	_ =	shalt  }
0x58: {  	_ =	shalt  }
0x59: {  	_ =	shalt  }
0x5a: {  	_ =	shalt  }
0x5b: {  	_ =	shalt  }
0x5c: {  	_ =	shalt  }
0x5d: {  	_ =	shalt  }
0x5e: {  	_ =	shalt  }
0x5f: {  	_ =	shalt  }
0x60: {  	_ =	shalt  }
0x61: {  	_ =	shalt  }
0x62: {  	_ =	shalt  }
0x63: {  	_ =	shalt  }
0x64: {  	_ =	shalt  }
0x65: {  	_ =	shalt  }
0x66: {  	_ =	shalt  }
0x67: {  	_ =	shalt  }
0x68: {  	_ =	shalt  }
0x69: {  	_ =	shalt  }
0x6a: {  	_ =	shalt  }
0x6b: {  	_ =	shalt  }
0x6c: {  	_ =	shalt  }
0x6d: {  	_ =	shalt  }
0x6e: {  	_ =	shalt  }
0x6f: {  	_ =	shalt  }
0x70: {  	_ =	shalt  }
0x71: {  	_ =	shalt  }
0x72: {  	_ =	shalt  }
0x73: {  	_ =	shalt  }
0x74: {  	_ =	shalt  }
0x75: {  	_ =	shalt  }
0x76: {  	_ =	shalt  }
0x77: {  	_ =	shalt  }
0x78: {  	_ =	shalt  }
0x79: {  	_ =	shalt  }
0x7a: {  	_ =	shalt  }
0x7b: {  	_ =	shalt  }
0x7c: {  	_ =	shalt  }
0x7d: {  	_ =	shalt  }
0x7e: {  	_ =	shalt  }
0x7f: {  	_ =	shalt  }
0x80: {  	_ =	shalt  }
0x81: {  	_ =	shalt  }
0x82: {  	_ =	shalt  }
0x83: {  	_ =	shalt  }
0x84: {  	_ =	shalt  }
0x85: {  	_ =	shalt  }
0x86: {  	_ =	shalt  }
0x87: {  	_ =	shalt  }
.Lfunc_end0:
.L_simem_size_0:
called_computation.1_lowered:
.L_overlay_start_0:
0x88: {  	s2 =	sld [smem:$0x3FD9]  }
0x89: {  	s3 =	sld [smem:$0x3FFE];
	_ =	sdelay $0x1  }
0x8a: {  	s1 =	srdreg.scid  }
0x8b: {  	s0 =	sand.u32 $0x1, s1  }
0x8c: {  	s16 =	sshll.u32 s0, $0xA;
	s2 =	sadd.s32 s3, s2  }
0x8d: {  	s2 =	sadd.s32 s2, s16  }
0x8e: {  	[smem:$0x3FAC] =	sst s2  }
0x8f: {  	_ = 	snop  }
0x90: {  	(tm) =	ssettm $0x1  }
0x91: {  	s17 =	sld [smem:$0x3FFB];
	_ =	sdelay $0x3  }
0x92: {  	_ =	strace s17  }
0x93: {  	s2 =	sld [smem:$0x3FFC];
	_ =	sdelay $0x3  }
0x94: {  	_ =	strace s2  }
0x95: {  	s2 =	sld [smem:$0x3FFD];
	_ =	sdelay $0x3  }
0x96: {  	_ =	strace s2  }
0x97: {  	_ =	strace $0x8FFFFFFF  }
0x98: {  	s18 =	sld [smem:$0x3FDB];
	_ =	sdelay $0x1  }
0x99: {  	s19 =	simm.s32 $_scs_section_size  }
0x9a: {  	s4 =	simm.s32 $_size__tile_overlayer_lowered;
	s5 =	simm.s32 $_tile_overlayer_lowered  }
0x9b: {  	s22 =	simm.s32 $0x1BFF;
	s21 =	sshll.u32 s5, $0x1;
	s2 =	sadd.s32 s19, s18  }
0x9c: {  	s6 =	simm.s32 $0x0;
	s20 =	sshll.u32 s4, $0x1;
	s4 =	sadd.s32 s21, s2  }
0x9d: {  	[timem:s6], [sflag:s22] =	dma.local [hbm:s4], s20  }
0x9e: {  	_ =	swait.ge [sflag:s22], s20  }
0x9f: {  	s3 =	ssub.s32 $0x0, s20;
	[sflag:s22] =	ssyncset.done $0x0  }
0xa0: {  	[sflag:s22] =	ssyncadd.s32 s3;
	_ =	sdelay $0x1  }
0xa1: {  	s23 =	simm.s32 $0x1B8B  }
0xa2: {  	_ =	swait.ge [sflag:s23], $0x1  }
0xa3: {  	[sflag:s23] =	ssyncset.done $0x0  }
0xa4: {  	s25 =	simm.s32 $0x1B8E;
	s24 =	sld [smem:$0x3FFE];
	[sflag:s23] =	ssyncadd.s32 $0xFFFFFFFF  }
0xa5: {  	s26 =	simm.s32 $execute0_lowered;
	[smem:$0x3FD2] =	sst s25  }
0xa6: {  	s4 =	sshll.u32 s26, $0x1;
	_ =	strace $0x80000049;
	[dreg:$0x1] =	wrdreg $0xFFFFFFFF  }
0xa7: {  	s28 =	simm.s32 $_size_execute0_lowered;
	s2 =	sadd.s32 s2, s4;
	[dreg:$0x0] =	wrdreg $0x0  }
0xa8: {  	s4 =	sshll.u32 s28, $0x1;
	[dreg:$0x2] =	wrdreg s2  }
0xa9: {  	[dreg:$0x3] =	wrdreg s4  }
0xaa: {  	[dreg:$0x4] =	wrdreg $0xC0  }
0xab: {  	_ =	task [dreg:s6], $0x5FFFF  }
0xac: {  	[dreg:$0x1] =	wrdreg $0xFFFFFFFF  }
0xad: {  	[dreg:$0x0] =	wrdreg $0x60  }
0xae: {  	[dreg:$0x2] =	wrdreg s24  }
0xaf: {  	[dreg:$0x3] =	wrdreg $0xC0000  }
0xb0: {  	[dreg:$0x4] =	wrdreg $0x9  }
0xb1: {  	_ =	task.clear_ibuf [dreg:s6], $0x5FFFF;
	_ =	strace $0x90000049  }
0xb2: {  	s29 =	simm.s32 $0x9;
	_ =	strace $0x8000004B  }
0xb3: {  	_ =	swait.ge [sflag:s29], $0x1  }
0xb4: {  	[sflag:s29] =	ssyncadd.s32 $0xFFFFFFFF  }
0xb5: {  	_ =	strace $0x9000004B  }
0xb6: {  	_ =	sfence  }
0xb7: {  	s30 =	sld [smem:$0x0];
	_ =	sdelay $0x2  }
0xb8: {  	s31 =	sshll.u32 s1, $0xD;
	s1 =	sshrl.u32 s1, $0x2  }
0xb9: {  	s3 =	sand.u32 $0x4000, s31;
	s1 =	sadd.s32 s1, s30  }
0xba: {  	s0 =	sor.u32 s3, s0;
	s1 =	sshll.u32 s1, $0x11  }
0xbb: {  	s0 =	sor.u32 s1, s0  }
0xbc: {  	s0 =	sadd.s32 $0x8F2B, s0  }
0xbd: {  	[sflag:s0] =	ssyncadd.remote.s32 $0x1  }
0xbe: {  	_ =	sfence.sel $0xFFFF  }
0xbf: {  	[dreg:$0x0] =	wrdreg $0xFFFFFFFF;
	(pc) =	sbr.abs _section_cstart, $3  }
0xc0: {  	[dreg:$0x1] =	wrdreg $0xFFFFFFFF  }
0xc1: {  	_ =	task.clear_ibuf [dreg:s6], $0x2FFFF;
	_ =	strace $0x9FFFFFFF  }
0xc2: {  	(tm) =	ssettm $0x7FFFFFFF  }
0xc3: {  	_ =	shalt  }
tec
execute0_lowered:
.L_overlay_start_1:
0x0: {  	(tag) =	ssettag $0x1  }
0x1: {  	s5 =	rddreg [dreg:$0x0]  }
0x2: {  	s0 =	srdreg.scid;
	s2 =	rddreg [dreg:$0x1]  }
0x3: {  	s1 =	rddreg [dreg:$0x2];
	s3 =	simm.s32 $0x0;
	s13 =	simm.s32 $0xA000  }
0x4: {  	s14 =	simm.s32 $0xB000;
	s17 =	simm.s32 $0x1;
	s4 =	sand.u32 $0x1, s0  }
0x5: {  	s18 =	simm.s32 $0x2;
	s0 =	stileid.u32;
	s6 =	smul.u32 $0x9C40, s4  }
0x6: {  	s19 =	simm.s32 $0x9F00;
	s20 =	simm.s32 $0x9F80;
	s7 =	smul.u32 $0x9E00, s0  }
0x7: {  	s21 =	simm.s32 $0x0;
	[smem:$0x7FF] =	sst s3;
	s8 =	smul.u32 $0x9E000, s4  }
0x8: {  	s9 =	smul.u32 $0xA00, s0;
	_ =	strace $0x8000004A;
	s30 =	ssub.s32 $0x2, s4  }
0x9: {  	s4 =	sadd.s32 $0x17A00, s5;
	s15 =	sshll.u32 s0, $0x6;
	s31 =	sshrl.u32 s30, $0x1  }
0xa: {  	s15 =	sor.u32 $0x1C03, s15;
	s10 =	sadd.s32 s6, s5;
	s28 =	sadd.s32 s7, s8  }
0xb: {  	s29 =	sadd.s32 s9, s5;
	s9 =	ssub.s32 s30, s31;
	s12 =	sshrl.u32 s7, $0x1  }
0xc: {  	s6 =	sshrl.u32 s28, $0x4;
	s7 =	sadd.s32 $0x4000, s10;
	s16 =	sadd.s32 s12, s2  }
0xd: {  	s9 =	smax.u32 s9, $0x1;
	s10 =	simm.s32 $0x3;
	s12 =	simm.s32 $0x80  }
0xe: {  	s11 =	sadd.s32 s6, s5;
	s5 =	sadd.s32 $0x22400, s29;
	s6 =	sadd.s32 $0x18400, s29  }
0xf: {  	s16 =	sshrl.u32 s16, $0x3;
	s8 =	sadd.s32 $0x7A600, s11;
	s11 =	simm.s32 $0x5000  }
.LBB2_1:
0x10: {  	[tilespmem:s3], [sflag:$0x3] =	stream.linear.gather [hbm4b:s5+s3], $0x5000, $0x38;
	[tilespmem:$0x10F00] =	vst v63  }
0x11: {  	_ =	swait.ge [sflag:s10], $0x5000  }
0x12: {  	[sflag:s10] =	ssyncset.done $0x0  }
0x13: {  	[sflag:s10] =	ssyncadd.s32 $0xFFFFB000  }
0x14: {  	[tilespmem:s11], [sflag:$0x3] =	stream.linear.gather [hbm4b:s6+s3], $0x5000, $0x38;
	[tilespmem:$0x10F00] =	vst v63  }
0x15: {  	_ =	swait.ge [sflag:s10], $0x5000  }
0x16: {  	[sflag:s10] =	ssyncset.done $0x0  }
0x17: {  	[sflag:s10] =	ssyncadd.s32 $0xFFFFB000  }
0x18: {  	[tilespmem:s13], [sflag:$0x1] =	stream.indirect.gather [hbm4b:s7+s12], $0x20, s3, s12, $0xb8;
	[tilespmem:$0x10F00] =	vst v63  }
0x19: {  	_ = 	snop  }
0x1a: {  	[tilespmem:s14], [sflag:$0x2] =	stream.indirect.gather [hbm4b:s7+s12], $0x20, s12, s12, $0xb8;
	[tilespmem:$0x10F00] =	vst v63  }
0x1b: {  	[spmem:s16], [sflag:s15] =	dma.local [hbm:s4], $0x9E0  }
0x1c: {  	_ =	swait.ge [sflag:s10], $0x9E0  }
0x1d: {  	[sflag:s10] =	ssyncset.done $0x0  }
0x1e: {  	[sflag:s10] =	ssyncadd.s32 $0xFFFFF620  }
0x1f: {  	[bflag:$0x0] =	sbarrier.arrive $0xFFFF  }
0x20: {  	_ =	swait.ge [sflag:s17], $0x1000  }
0x21: {  	[sflag:s17] =	ssyncset.done $0x0  }
0x22: {  	s22 =	simm.s32 $0x5000;
	[sflag:s17] =	ssyncadd.s32 $0xFFFFF000  }
0x23: {  	[spmem:s2] =	stream.indirect.scatter.add.bf16 [tilespmem:s13], [sflag:$0x3], $0x20, s22, s12, $0xb8;
	[tilespmem:$0x10F00] =	vst v63  }
0x24: {  	_ =	swait.ge [sflag:s10], $0x1000  }
0x25: {  	[sflag:s10] =	ssyncset.done $0x0  }
0x26: {  	s30 =	simm.s32 $0x100;
	[sflag:s10] =	ssyncadd.s32 $0xFFFFF000  }
0x27: {  	[tilespmem:s13], [sflag:$0x1] =	stream.indirect.gather [hbm4b:s7+s12], $0x20, s30, s12, $0xb8;
	[tilespmem:$0x10F00] =	vst v63  }
0x28: {  	_ =	swait.ge [sflag:s18], $0x1000  }
0x29: {  	[sflag:s18] =	ssyncset.done $0x0  }
0x2a: {  	s31 =	simm.s32 $0x5080;
	[sflag:s18] =	ssyncadd.s32 $0xFFFFF000  }
0x2b: {  	[spmem:s2] =	stream.indirect.scatter.add.bf16 [tilespmem:s14], [sflag:$0x3], $0x20, s31, s12, $0xb8;
	[tilespmem:$0x10F00] =	vst v63  }
0x2c: {  	_ =	swait.ge [sflag:s10], $0x1000  }
0x2d: {  	[sflag:s10] =	ssyncset.done $0x0  }
0x2e: {  	s23 =	simm.s32 $0x180;
	s22 =	simm.s32 $0x400;
	[sflag:s10] =	ssyncadd.s32 $0xFFFFF000  }
.LBB2_2:
0x2f: {  	[tilespmem:s14], [sflag:$0x2] =	stream.indirect.gather [hbm4b:s7+s12], $0x20, s23, s12, $0xb8;
	[tilespmem:$0x10F00] =	vst v63  }
0x30: {  	s23 =	smov.u32 s22  }
0x31: {  	p0 =	sne.s32 s22, $0x13800;
	s22 =	sadd.s32 $0x400, s22;
	_ =	swait.ge [sflag:s17], $0x1000  }
0x32: {  	s23 =	sshra.s32 s23, $0x2;
	[sflag:s17] =	ssyncset.done $0x0  }
0x33: {  	s24 =	sadd.s32 $0x5000, s23;
	[sflag:s17] =	ssyncadd.s32 $0xFFFFF000  }
0x34: {  	[spmem:s2] =	stream.indirect.scatter.add.bf16 [tilespmem:s13], [sflag:$0x3], $0x20, s24, s12, $0xb8;
	[tilespmem:$0x10F00] =	vst v63  }
0x35: {  	_ =	swait.ge [sflag:s10], $0x1000  }
0x36: {  	[sflag:s10] =	ssyncset.done $0x0  }
0x37: {  	s24 =	sadd.s32 $0x100, s23;
	[sflag:s10] =	ssyncadd.s32 $0xFFFFF000  }
0x38: {  	[tilespmem:s13], [sflag:$0x1] =	stream.indirect.gather [hbm4b:s7+s12], $0x20, s24, s12, $0xb8;
	[tilespmem:$0x10F00] =	vst v63  }
0x39: {  	_ =	swait.ge [sflag:s18], $0x1000  }
0x3a: {  	[sflag:s18] =	ssyncset.done $0x0  }
.Ltmp0:
0x3b: {  	s24 =	sadd.s32 $0x5080, s23;
	[sflag:s18] =	ssyncadd.s32 $0xFFFFF000;
	(pc) =	sbr.rel @p0 .LBB2_2-.Ltmp0, $4  }
0x3c: {  	[spmem:s2] =	stream.indirect.scatter.add.bf16 [tilespmem:s14], [sflag:$0x3], $0x20, s24, s12, $0xb8;
	[tilespmem:$0x10F00] =	vst v63  }
0x3d: {  	_ =	swait.ge [sflag:s10], $0x1000  }
0x3e: {  	[sflag:s10] =	ssyncset.done $0x0  }
0x3f: {  	s23 =	sadd.s32 $0x180, s23;
	[sflag:s10] =	ssyncadd.s32 $0xFFFFF000  }
0x40: {  	[tilespmem:s14], [sflag:$0x2] =	stream.indirect.gather [hbm4b:s7+s12], $0x20, s23, s12, $0xb8;
	[tilespmem:$0x10F00] =	vst v63  }
0x41: {  	_ =	swait.ge [sflag:s17], $0x1000  }
0x42: {  	[sflag:s17] =	ssyncset.done $0x0  }
0x43: {  	[sflag:s17] =	ssyncadd.s32 $0xFFFFF000  }
0x44: {  	[spmem:s2] =	stream.indirect.scatter.add.bf16 [tilespmem:s13], [sflag:$0x3], $0x20, s19, s12, $0xb8;
	[tilespmem:$0x10F00] =	vst v63  }
0x45: {  	_ =	swait.ge [sflag:s10], $0x1000  }
0x46: {  	[sflag:s10] =	ssyncset.done $0x0  }
0x47: {  	[sflag:s10] =	ssyncadd.s32 $0xFFFFF000  }
0x48: {  	_ =	swait.ge [sflag:s18], $0x1000  }
0x49: {  	[sflag:s18] =	ssyncset.done $0x0  }
0x4a: {  	[sflag:s18] =	ssyncadd.s32 $0xFFFFF000  }
0x4b: {  	[spmem:s2] =	stream.indirect.scatter.add.bf16 [tilespmem:s14], [sflag:$0x3], $0x20, s20, s12, $0xb8;
	[tilespmem:$0x10F00] =	vst v63  }
0x4c: {  	_ =	swait.ge [sflag:s10], $0x1000  }
0x4d: {  	s21 =	sadd.s32 $0x1, s21;
	[sflag:s10] =	ssyncset.done $0x0  }
0x4e: {  	p0 =	sne.s32 s21, s9;
	[sflag:s10] =	ssyncadd.s32 $0xFFFFF000  }
.Ltmp1:
0x4f: {  	[bflag:$0x0] =	sbarrier.arrive $0xFFFF;
	(pc) =	sbr.rel @p0 .LBB2_1-.Ltmp1, $4  }
0x50: {  	[hbm:s8], [sflag:s15] =	dma.local [spmem:s16], $0x9E0  }
0x51: {  	_ =	swait.ge [sflag:s10], $0x9E0  }
0x52: {  	[sflag:s10] =	ssyncset.done $0x0  }
0x53: {  	[sflag:s10] =	ssyncadd.s32 $0xFFFFF620  }
0x54: {  	_ =	sfence.sel $0x180000  }
0x55: {  	[bflag:$0x0] =	sbarrier.arrive $0xFFFF  }
0x56: {  	p0 =	sne.s32 s0, $0x0;
	_ =	strace $0x9000004A  }
0x57: {  	s0 =	sadd.s32 @!p0 $0x100000, s1;
	[bflag:$0x2] =	sbarrier.arrive $0xFFFF  }
0x58: {  	[sflag:s0] =	ssyncadd.tile.s32 @!p0 $0x1;
	_ =	shalt  }
.Lfunc_end2:
_tile_overlayer_lowered:
.L_overlay_start_2:
0x59: {  	(tag) =	ssettag $0x2  }
0x5a: {  	s0 =	rddreg [dreg:$0x0];
	s2 =	stileid.u32  }
0x5b: {  	s1 =	rddreg [dreg:$0x1];
	p0 =	sne.s32 s2, $0x0  }
0x5c: {  	s3 =	rddreg [dreg:$0x2];
	[bflag:$0x3] =	sbarrier.arrive $0xFFFF;
	s2 =	simm.s32 @!p0 $0x1C03  }
0x5d: {  	[timem:s3], [sflag:s2] =	dma.local @!p0 [hbm:s0], s1  }
0x5e: {  	s0 =	simm.s32 @!p0 $0x3  }
0x5f: {  	_ =	swait.ge @!p0 [sflag:s0], s1  }
0x60: {  	s1 =	ssub.s32 @!p0 $0x0, s1;
	[sflag:s0] =	ssyncset.done @!p0 $0x0  }
0x61: {  	[sflag:s0] =	ssyncadd.s32 @!p0 s1  }
0x62: {  	[bflag:$0x3] =	sbarrier.arrive $0xFFFF  }
0x63: {  	_ =	shalt  }

// kernel: kernel.15.cloned.1.call-start
scs
__scs_entry_jumppad:
0x0: {  	(pc) =	sbr.rel $0x88, $3  }
0x1: {  	(tag) =	ssettag $0x0;
	lr =	simm.s32 $0x1  }
0x2: {  	[smem:$0x3F85] =	sst lr;
	_ =	strace $0xD0000000  }
0x3: {  	_ = 	snop  }
0x4: {  	_ = 	snop  }
0x5: {  	_ = 	snop  }
0x6: {  	_ = 	snop  }
0x7: {  	_ = 	snop  }
__scs_overlays_trampoline_lowered:
0x8: {  	[smem:$0x3F94] =	sst s0  }
0x9: {  	[smem:$0x3F95] =	sst s1  }
0xa: {  	[smem:$0x3F96] =	sst s2  }
0xb: {  	[smem:$0x3F97] =	sst s3  }
0xc: {  	[smem:$0x3F98] =	sst s4  }
0xd: {  	[smem:$0x3F99] =	sst s5  }
0xe: {  	[smem:$0x3F9A] =	sst s6  }
0xf: {  	[smem:$0x3F9B] =	sst s7  }
0x10: {  	[smem:$0x3F9C] =	sst s8  }
0x11: {  	[smem:$0x3F9D] =	sst s9;
	s0 =	simm.s32 @!p0 $0x0  }
0x12: {  	s1 =	sld [smem:$0x3F83];
	s0 =	simm.s32 @p0 $0x1  }
0x13: {  	[smem:$0x3F9E] =	sst s0;
	s0 =	simm.s32 @!p1 $0x0  }
0x14: {  	s2 =	sld [smem:$0x3F82];
	s0 =	simm.s32 @p1 $0x1  }
0x15: {  	[smem:$0x3F9F] =	sst s0;
	s0 =	simm.s32 @!p2 $0x0  }
0x16: {  	s3 =	sld [smem:$0x3FDB];
	s0 =	simm.s32 @p2 $0x1  }
0x17: {  	s4 =	simm.s32 $0x1BF5;
	[smem:$0x3FA1] =	sst s0  }
0x18: {  	s0 =	sld [smem:$0x3F84];
	_ =	swait.ge [sflag:s4], $0x0  }
0x19: {  	s7 =	sld [smem:$0x3F85]  }
0x1a: {  	s8 =	sadd.s32 $0xFFFFE003, lr  }
0x1b: {  	s9 =	sadd.s32 $0xFFFFFEF7, lr;
	s5 =	simm.s32 $0xFFFFFFFF;
	p2 =	slt.u32 s8, $0xFFFFF086  }
0x1c: {  	p1 =	slt.u32 s9, $0xF7A;
	s5 =	simm.s32 @!p2 $0x0  }
0x1d: {  	s5 =	simm.s32 @p1 $0x1;
	p0 =	seq.s32 s7, s2  }
0x1e: {  	s7 =	smul.u32 @!p0 $0xF7A, s2;
	p2 =	seq.s32 @!p0 s5, $0x0  }
0x1f: {  	s9 =	smul.u32 $0xF7A, s1;
	s8 =	simm.s32 @!p0 $0x1BF5;
	p2 =	por !p2, p0  }
0x20: {  	[sflag:s8] =	ssyncset.s32 @!p0 $0xFFFFF086;
	s6 =	sadd.s32 @!p0 s3, s7;
	s7 =	simm.s32 @!p0 $0x108  }
0x21: {  	s3 =	sadd.s32 s3, s9;
	s6 =	sadd.s32 @!p0 $0x88, s6;
	s7 =	simm.s32 @p2 $0x1082  }
0x22: {  	[simem:s7], [sflag:s8] =	dma.local @!p0 [hbm:s6], $0xF7A  }
0x23: {  	s9 =	sor.u32 $0xD0000000, s2;
	s6 =	simm.s32 $0x108;
	_ =	swait.ge @!p0 [sflag:s8], $0x0  }
0x24: {  	s3 =	sadd.s32 $0x88, s3;
	s6 =	simm.s32 @!p1 $0x1082;
	[sflag:s4] =	ssyncset.s32 $0xFFFFF086  }
0x25: {  	[simem:s6], [sflag:s4] =	dma.local [hbm:s3], $0xF7A  }
0x26: {  	[smem:$0x3F85] =	sst s1;
	(tag) =	ssettag s2;
	_ =	strace s9  }
0x27: {  	s1 =	sld [smem:$0x3F95]  }
0x28: {  	s2 =	sld [smem:$0x3F96]  }
0x29: {  	s4 =	sld [smem:$0x3F98]  }
0x2a: {  	p0 =	seq.s32 s5, $0x0;
	s5 =	sld [smem:$0x3F99]  }
0x2b: {  	s6 =	sld [smem:$0x3F9A]  }
0x2c: {  	s7 =	sld [smem:$0x3F9B]  }
0x2d: {  	s3 =	simm.s32 $0x108;
	s8 =	sld [smem:$0x3F9C]  }
0x2e: {  	s3 =	simm.s32 @!p0 $0x1082;
	s9 =	sld [smem:$0x3F9D]  }
0x2f: {  	lr =	sadd.s32 s0, s3;
	s0 =	sld [smem:$0x3F94]  }
0x30: {  	s3 =	sld [smem:$0x3F97]  }
0x31: {  	[smem:$0x3FA0] =	sst s10  }
0x32: {  	s10 =	sld [smem:$0x3F9E];
	_ =	sdelay $0x3  }
0x33: {  	p0 =	seq.s32 s10, $0x1;
	s10 =	sld [smem:$0x3FA0];
	_ =	sdelay $0x3  }
0x34: {  	[smem:$0x3FA0] =	sst s10  }
0x35: {  	s10 =	sld [smem:$0x3F9F];
	_ =	sdelay $0x3  }
0x36: {  	p1 =	seq.s32 s10, $0x1;
	s10 =	sld [smem:$0x3FA0];
	_ =	sdelay $0x3  }
0x37: {  	[smem:$0x3FA0] =	sst s10  }
0x38: {  	s10 =	sld [smem:$0x3FA1]  }
0x39: {  	_ = 	snop;
	(pc) =	sbr.ind lr, $3  }
0x3a: {  	_ = 	snop  }
0x3b: {  	_ = 	snop  }
0x3c: {  	p2 =	seq.s32 s10, $0x1;
	s10 =	sld [smem:$0x3FA0]  }
0x3d: {  	_ =	shalt  }
0x3e: {  	_ =	shalt  }
0x3f: {  	_ =	shalt  }
0x40: {  	_ =	shalt  }
0x41: {  	_ =	shalt  }
0x42: {  	_ =	shalt  }
0x43: {  	_ =	shalt  }
0x44: {  	_ =	shalt  }
0x45: {  	_ =	shalt  }
0x46: {  	_ =	shalt  }
0x47: {  	_ =	shalt  }
0x48: {  	_ =	shalt  }
0x49: {  	_ =	shalt  }
0x4a: {  	_ =	shalt  }
0x4b: {  	_ =	shalt  }
0x4c: {  	_ =	shalt  }
0x4d: {  	_ =	shalt  }
0x4e: {  	_ =	shalt  }
0x4f: {  	_ =	shalt  }
0x50: {  	_ =	shalt  }
0x51: {  	_ =	shalt  }
0x52: {  	_ =	shalt  }
0x53: {  	_ =	shalt  }
0x54: {  	_ =	shalt  }
0x55: {  	_ =	shalt  }
0x56: {  	_ =	shalt  }
0x57: {  	_ =	shalt  }
0x58: {  	_ =	shalt  }
0x59: {  	_ =	shalt  }
0x5a: {  	_ =	shalt  }
0x5b: {  	_ =	shalt  }
0x5c: {  	_ =	shalt  }
0x5d: {  	_ =	shalt  }
0x5e: {  	_ =	shalt  }
0x5f: {  	_ =	shalt  }
0x60: {  	_ =	shalt  }
0x61: {  	_ =	shalt  }
0x62: {  	_ =	shalt  }
0x63: {  	_ =	shalt  }
0x64: {  	_ =	shalt  }
0x65: {  	_ =	shalt  }
0x66: {  	_ =	shalt  }
0x67: {  	_ =	shalt  }
0x68: {  	_ =	shalt  }
0x69: {  	_ =	shalt  }
0x6a: {  	_ =	shalt  }
0x6b: {  	_ =	shalt  }
0x6c: {  	_ =	shalt  }
0x6d: {  	_ =	shalt  }
0x6e: {  	_ =	shalt  }
0x6f: {  	_ =	shalt  }
0x70: {  	_ =	shalt  }
0x71: {  	_ =	shalt  }
0x72: {  	_ =	shalt  }
0x73: {  	_ =	shalt  }
0x74: {  	_ =	shalt  }
0x75: {  	_ =	shalt  }
0x76: {  	_ =	shalt  }
0x77: {  	_ =	shalt  }
0x78: {  	_ =	shalt  }
0x79: {  	_ =	shalt  }
0x7a: {  	_ =	shalt  }
0x7b: {  	_ =	shalt  }
0x7c: {  	_ =	shalt  }
0x7d: {  	_ =	shalt  }
0x7e: {  	_ =	shalt  }
0x7f: {  	_ =	shalt  }
0x80: {  	_ =	shalt  }
0x81: {  	_ =	shalt  }
0x82: {  	_ =	shalt  }
0x83: {  	_ =	shalt  }
0x84: {  	_ =	shalt  }
0x85: {  	_ =	shalt  }
0x86: {  	_ =	shalt  }
0x87: {  	_ =	shalt  }
.Lfunc_end0:
.L_simem_size_0:
called_computation.2_lowered:
.L_overlay_start_0:
0x88: {  	s2 =	sld [smem:$0x3FD9]  }
0x89: {  	s3 =	sld [smem:$0x3FFE];
	_ =	sdelay $0x1  }
0x8a: {  	s1 =	srdreg.scid  }
0x8b: {  	s0 =	sand.u32 $0x1, s1  }
0x8c: {  	s16 =	sshll.u32 s0, $0xA;
	s2 =	sadd.s32 s3, s2  }
0x8d: {  	s2 =	sadd.s32 s2, s16  }
0x8e: {  	[smem:$0x3FAC] =	sst s2  }
0x8f: {  	_ = 	snop  }
0x90: {  	(tm) =	ssettm $0x1  }
0x91: {  	s17 =	sld [smem:$0x3FFB];
	_ =	sdelay $0x3  }
0x92: {  	_ =	strace s17  }
0x93: {  	s2 =	sld [smem:$0x3FFC];
	_ =	sdelay $0x3  }
0x94: {  	_ =	strace s2  }
0x95: {  	s2 =	sld [smem:$0x3FFD];
	_ =	sdelay $0x3  }
0x96: {  	_ =	strace s2  }
0x97: {  	_ =	strace $0x8FFFFFFF  }
0x98: {  	s18 =	sld [smem:$0x3FDB];
	_ =	sdelay $0x1  }
0x99: {  	s19 =	simm.s32 $_scs_section_size  }
0x9a: {  	s4 =	simm.s32 $_size__tile_overlayer_lowered;
	s5 =	simm.s32 $_tile_overlayer_lowered  }
0x9b: {  	s22 =	simm.s32 $0x1BFF;
	s21 =	sshll.u32 s5, $0x1;
	s2 =	sadd.s32 s19, s18  }
0x9c: {  	s6 =	simm.s32 $0x0;
	s20 =	sshll.u32 s4, $0x1;
	s4 =	sadd.s32 s21, s2  }
0x9d: {  	[timem:s6], [sflag:s22] =	dma.local [hbm:s4], s20  }
0x9e: {  	_ =	swait.ge [sflag:s22], s20  }
0x9f: {  	s3 =	ssub.s32 $0x0, s20;
	[sflag:s22] =	ssyncset.done $0x0  }
0xa0: {  	[sflag:s22] =	ssyncadd.s32 s3;
	_ =	sdelay $0x1  }
0xa1: {  	s23 =	simm.s32 $0x1B8B  }
0xa2: {  	_ =	swait.ge [sflag:s23], $0x1  }
0xa3: {  	[sflag:s23] =	ssyncset.done $0x0  }
0xa4: {  	s25 =	simm.s32 $0x1B8E;
	s24 =	sld [smem:$0x3FFE];
	[sflag:s23] =	ssyncadd.s32 $0xFFFFFFFF  }
0xa5: {  	s26 =	simm.s32 $execute0_lowered;
	[smem:$0x3FD2] =	sst s25  }
0xa6: {  	s4 =	sshll.u32 s26, $0x1;
	_ =	strace $0x8000004C;
	[dreg:$0x1] =	wrdreg $0xFFFFFFFF  }
0xa7: {  	s28 =	simm.s32 $_size_execute0_lowered;
	s2 =	sadd.s32 s2, s4;
	[dreg:$0x0] =	wrdreg $0x0  }
0xa8: {  	s4 =	sshll.u32 s28, $0x1;
	[dreg:$0x2] =	wrdreg s2  }
0xa9: {  	[dreg:$0x3] =	wrdreg s4  }
0xaa: {  	[dreg:$0x4] =	wrdreg $0xC0  }
0xab: {  	_ =	task [dreg:s6], $0x5FFFF  }
0xac: {  	[dreg:$0x1] =	wrdreg $0xFFFFFFFF  }
0xad: {  	[dreg:$0x0] =	wrdreg $0x60  }
0xae: {  	[dreg:$0x2] =	wrdreg s24  }
0xaf: {  	[dreg:$0x3] =	wrdreg $0xC0000  }
0xb0: {  	[dreg:$0x4] =	wrdreg $0x9  }
0xb1: {  	_ =	task.clear_ibuf [dreg:s6], $0x5FFFF;
	_ =	strace $0x9000004C  }
0xb2: {  	s29 =	simm.s32 $0x9;
	_ =	strace $0x8000004E  }
0xb3: {  	_ =	swait.ge [sflag:s29], $0x1  }
0xb4: {  	[sflag:s29] =	ssyncadd.s32 $0xFFFFFFFF  }
0xb5: {  	_ =	strace $0x9000004E  }
0xb6: {  	_ =	sfence  }
0xb7: {  	s30 =	sld [smem:$0x0];
	_ =	sdelay $0x2  }
0xb8: {  	s31 =	sshll.u32 s1, $0xD;
	s1 =	sshrl.u32 s1, $0x2  }
0xb9: {  	s3 =	sand.u32 $0x4000, s31;
	s1 =	sadd.s32 s1, s30  }
0xba: {  	s0 =	sor.u32 s3, s0;
	s1 =	sshll.u32 s1, $0x11  }
0xbb: {  	s0 =	sor.u32 s1, s0  }
0xbc: {  	s0 =	sadd.s32 $0x8F2B, s0  }
0xbd: {  	[sflag:s0] =	ssyncadd.remote.s32 $0x1  }
0xbe: {  	_ =	sfence.sel $0xFFFF  }
0xbf: {  	[dreg:$0x0] =	wrdreg $0xFFFFFFFF;
	(pc) =	sbr.abs _section_cstart, $3  }
0xc0: {  	[dreg:$0x1] =	wrdreg $0xFFFFFFFF  }
0xc1: {  	_ =	task.clear_ibuf [dreg:s6], $0x2FFFF;
	_ =	strace $0x9FFFFFFF  }
0xc2: {  	(tm) =	ssettm $0x7FFFFFFF  }
0xc3: {  	_ =	shalt  }
tec
execute0_lowered:
.L_overlay_start_1:
0x0: {  	(tag) =	ssettag $0x1  }
0x1: {  	s5 =	rddreg [dreg:$0x0]  }
0x2: {  	s0 =	srdreg.scid;
	s2 =	rddreg [dreg:$0x1]  }
0x3: {  	s1 =	rddreg [dreg:$0x2];
	s3 =	simm.s32 $0x0;
	s13 =	simm.s32 $0xA000  }
0x4: {  	s14 =	simm.s32 $0xB000;
	s17 =	simm.s32 $0x1;
	s4 =	sand.u32 $0x1, s0  }
0x5: {  	s18 =	simm.s32 $0x2;
	s0 =	stileid.u32;
	s6 =	smul.u32 $0x9C40, s4  }
0x6: {  	s19 =	simm.s32 $0x9F00;
	s20 =	simm.s32 $0x9F80;
	s7 =	smul.u32 $0x9E00, s0  }
0x7: {  	s21 =	simm.s32 $0x0;
	[smem:$0x7FF] =	sst s3;
	s8 =	smul.u32 $0x9E000, s4  }
0x8: {  	s9 =	smul.u32 $0xA00, s0;
	_ =	strace $0x8000004D;
	s30 =	ssub.s32 $0x2, s4  }
0x9: {  	s4 =	sadd.s32 $0x17A00, s5;
	s15 =	sshll.u32 s0, $0x6;
	s31 =	sshrl.u32 s30, $0x1  }
0xa: {  	s15 =	sor.u32 $0x1C03, s15;
	s10 =	sadd.s32 s6, s5;
	s28 =	sadd.s32 s7, s8  }
0xb: {  	s29 =	sadd.s32 s9, s5;
	s9 =	ssub.s32 s30, s31;
	s12 =	sshrl.u32 s7, $0x1  }
0xc: {  	s6 =	sshrl.u32 s28, $0x4;
	s7 =	sadd.s32 $0x4000, s10;
	s16 =	sadd.s32 s12, s2  }
0xd: {  	s9 =	smax.u32 s9, $0x1;
	s10 =	simm.s32 $0x3;
	s12 =	simm.s32 $0x80  }
0xe: {  	s11 =	sadd.s32 s6, s5;
	s5 =	sadd.s32 $0x22400, s29;
	s6 =	sadd.s32 $0x18400, s29  }
0xf: {  	s16 =	sshrl.u32 s16, $0x3;
	s8 =	sadd.s32 $0x7A600, s11;
	s11 =	simm.s32 $0x5000  }
.LBB2_1:
0x10: {  	[tilespmem:s3], [sflag:$0x3] =	stream.linear.gather [hbm4b:s5+s3], $0x5000, $0x38;
	[tilespmem:$0x10F00] =	vst v63  }
0x11: {  	_ =	swait.ge [sflag:s10], $0x5000  }
0x12: {  	[sflag:s10] =	ssyncset.done $0x0  }
0x13: {  	[sflag:s10] =	ssyncadd.s32 $0xFFFFB000  }
0x14: {  	[tilespmem:s11], [sflag:$0x3] =	stream.linear.gather [hbm4b:s6+s3], $0x5000, $0x38;
	[tilespmem:$0x10F00] =	vst v63  }
0x15: {  	_ =	swait.ge [sflag:s10], $0x5000  }
0x16: {  	[sflag:s10] =	ssyncset.done $0x0  }
0x17: {  	[sflag:s10] =	ssyncadd.s32 $0xFFFFB000  }
0x18: {  	[tilespmem:s13], [sflag:$0x1] =	stream.indirect.gather [hbm4b:s7+s12], $0x20, s3, s12, $0xb8;
	[tilespmem:$0x10F00] =	vst v63  }
0x19: {  	_ = 	snop  }
0x1a: {  	[tilespmem:s14], [sflag:$0x2] =	stream.indirect.gather [hbm4b:s7+s12], $0x20, s12, s12, $0xb8;
	[tilespmem:$0x10F00] =	vst v63  }
0x1b: {  	[spmem:s16], [sflag:s15] =	dma.local [hbm:s4], $0x9E0  }
0x1c: {  	_ =	swait.ge [sflag:s10], $0x9E0  }
0x1d: {  	[sflag:s10] =	ssyncset.done $0x0  }
0x1e: {  	[sflag:s10] =	ssyncadd.s32 $0xFFFFF620  }
0x1f: {  	[bflag:$0x0] =	sbarrier.arrive $0xFFFF  }
0x20: {  	_ =	swait.ge [sflag:s17], $0x1000  }
0x21: {  	[sflag:s17] =	ssyncset.done $0x0  }
0x22: {  	s22 =	simm.s32 $0x5000;
	[sflag:s17] =	ssyncadd.s32 $0xFFFFF000  }
0x23: {  	[spmem:s2] =	stream.indirect.scatter.add.bf16 [tilespmem:s13], [sflag:$0x3], $0x20, s22, s12, $0xb8;
	[tilespmem:$0x10F00] =	vst v63  }
0x24: {  	_ =	swait.ge [sflag:s10], $0x1000  }
0x25: {  	[sflag:s10] =	ssyncset.done $0x0  }
0x26: {  	s30 =	simm.s32 $0x100;
	[sflag:s10] =	ssyncadd.s32 $0xFFFFF000  }
0x27: {  	[tilespmem:s13], [sflag:$0x1] =	stream.indirect.gather [hbm4b:s7+s12], $0x20, s30, s12, $0xb8;
	[tilespmem:$0x10F00] =	vst v63  }
0x28: {  	_ =	swait.ge [sflag:s18], $0x1000  }
0x29: {  	[sflag:s18] =	ssyncset.done $0x0  }
0x2a: {  	s31 =	simm.s32 $0x5080;
	[sflag:s18] =	ssyncadd.s32 $0xFFFFF000  }
0x2b: {  	[spmem:s2] =	stream.indirect.scatter.add.bf16 [tilespmem:s14], [sflag:$0x3], $0x20, s31, s12, $0xb8;
	[tilespmem:$0x10F00] =	vst v63  }
0x2c: {  	_ =	swait.ge [sflag:s10], $0x1000  }
0x2d: {  	[sflag:s10] =	ssyncset.done $0x0  }
0x2e: {  	s23 =	simm.s32 $0x180;
	s22 =	simm.s32 $0x400;
	[sflag:s10] =	ssyncadd.s32 $0xFFFFF000  }
.LBB2_2:
0x2f: {  	[tilespmem:s14], [sflag:$0x2] =	stream.indirect.gather [hbm4b:s7+s12], $0x20, s23, s12, $0xb8;
	[tilespmem:$0x10F00] =	vst v63  }
0x30: {  	s23 =	smov.u32 s22  }
0x31: {  	p0 =	sne.s32 s22, $0x13800;
	s22 =	sadd.s32 $0x400, s22;
	_ =	swait.ge [sflag:s17], $0x1000  }
0x32: {  	s23 =	sshra.s32 s23, $0x2;
	[sflag:s17] =	ssyncset.done $0x0  }
0x33: {  	s24 =	sadd.s32 $0x5000, s23;
	[sflag:s17] =	ssyncadd.s32 $0xFFFFF000  }
0x34: {  	[spmem:s2] =	stream.indirect.scatter.add.bf16 [tilespmem:s13], [sflag:$0x3], $0x20, s24, s12, $0xb8;
	[tilespmem:$0x10F00] =	vst v63  }
0x35: {  	_ =	swait.ge [sflag:s10], $0x1000  }
0x36: {  	[sflag:s10] =	ssyncset.done $0x0  }
0x37: {  	s24 =	sadd.s32 $0x100, s23;
	[sflag:s10] =	ssyncadd.s32 $0xFFFFF000  }
0x38: {  	[tilespmem:s13], [sflag:$0x1] =	stream.indirect.gather [hbm4b:s7+s12], $0x20, s24, s12, $0xb8;
	[tilespmem:$0x10F00] =	vst v63  }
0x39: {  	_ =	swait.ge [sflag:s18], $0x1000  }
0x3a: {  	[sflag:s18] =	ssyncset.done $0x0  }
.Ltmp0:
0x3b: {  	s24 =	sadd.s32 $0x5080, s23;
	[sflag:s18] =	ssyncadd.s32 $0xFFFFF000;
	(pc) =	sbr.rel @p0 .LBB2_2-.Ltmp0, $4  }
0x3c: {  	[spmem:s2] =	stream.indirect.scatter.add.bf16 [tilespmem:s14], [sflag:$0x3], $0x20, s24, s12, $0xb8;
	[tilespmem:$0x10F00] =	vst v63  }
0x3d: {  	_ =	swait.ge [sflag:s10], $0x1000  }
0x3e: {  	[sflag:s10] =	ssyncset.done $0x0  }
0x3f: {  	s23 =	sadd.s32 $0x180, s23;
	[sflag:s10] =	ssyncadd.s32 $0xFFFFF000  }
0x40: {  	[tilespmem:s14], [sflag:$0x2] =	stream.indirect.gather [hbm4b:s7+s12], $0x20, s23, s12, $0xb8;
	[tilespmem:$0x10F00] =	vst v63  }
0x41: {  	_ =	swait.ge [sflag:s17], $0x1000  }
0x42: {  	[sflag:s17] =	ssyncset.done $0x0  }
0x43: {  	[sflag:s17] =	ssyncadd.s32 $0xFFFFF000  }
0x44: {  	[spmem:s2] =	stream.indirect.scatter.add.bf16 [tilespmem:s13], [sflag:$0x3], $0x20, s19, s12, $0xb8;
	[tilespmem:$0x10F00] =	vst v63  }
0x45: {  	_ =	swait.ge [sflag:s10], $0x1000  }
0x46: {  	[sflag:s10] =	ssyncset.done $0x0  }
0x47: {  	[sflag:s10] =	ssyncadd.s32 $0xFFFFF000  }
0x48: {  	_ =	swait.ge [sflag:s18], $0x1000  }
0x49: {  	[sflag:s18] =	ssyncset.done $0x0  }
0x4a: {  	[sflag:s18] =	ssyncadd.s32 $0xFFFFF000  }
0x4b: {  	[spmem:s2] =	stream.indirect.scatter.add.bf16 [tilespmem:s14], [sflag:$0x3], $0x20, s20, s12, $0xb8;
	[tilespmem:$0x10F00] =	vst v63  }
0x4c: {  	_ =	swait.ge [sflag:s10], $0x1000  }
0x4d: {  	s21 =	sadd.s32 $0x1, s21;
	[sflag:s10] =	ssyncset.done $0x0  }
0x4e: {  	p0 =	sne.s32 s21, s9;
	[sflag:s10] =	ssyncadd.s32 $0xFFFFF000  }
.Ltmp1:
0x4f: {  	[bflag:$0x0] =	sbarrier.arrive $0xFFFF;
	(pc) =	sbr.rel @p0 .LBB2_1-.Ltmp1, $4  }
0x50: {  	[hbm:s8], [sflag:s15] =	dma.local [spmem:s16], $0x9E0  }
0x51: {  	_ =	swait.ge [sflag:s10], $0x9E0  }
0x52: {  	[sflag:s10] =	ssyncset.done $0x0  }
0x53: {  	[sflag:s10] =	ssyncadd.s32 $0xFFFFF620  }
0x54: {  	_ =	sfence.sel $0x180000  }
0x55: {  	[bflag:$0x0] =	sbarrier.arrive $0xFFFF  }
0x56: {  	p0 =	sne.s32 s0, $0x0;
	_ =	strace $0x9000004D  }
0x57: {  	s0 =	sadd.s32 @!p0 $0x100000, s1;
	[bflag:$0x2] =	sbarrier.arrive $0xFFFF  }
0x58: {  	[sflag:s0] =	ssyncadd.tile.s32 @!p0 $0x1;
	_ =	shalt  }
.Lfunc_end2:
_tile_overlayer_lowered:
.L_overlay_start_2:
0x59: {  	(tag) =	ssettag $0x2  }
0x5a: {  	s0 =	rddreg [dreg:$0x0];
	s2 =	stileid.u32  }
0x5b: {  	s1 =	rddreg [dreg:$0x1];
	p0 =	sne.s32 s2, $0x0  }
0x5c: {  	s3 =	rddreg [dreg:$0x2];
	[bflag:$0x3] =	sbarrier.arrive $0xFFFF;
	s2 =	simm.s32 @!p0 $0x1C03  }
0x5d: {  	[timem:s3], [sflag:s2] =	dma.local @!p0 [hbm:s0], s1  }
0x5e: {  	s0 =	simm.s32 @!p0 $0x3  }
0x5f: {  	_ =	swait.ge @!p0 [sflag:s0], s1  }
0x60: {  	s1 =	ssub.s32 @!p0 $0x0, s1;
	[sflag:s0] =	ssyncset.done @!p0 $0x0  }
0x61: {  	[sflag:s0] =	ssyncadd.s32 @!p0 s1  }
0x62: {  	[bflag:$0x3] =	sbarrier.arrive $0xFFFF  }
0x63: {  	_ =	shalt  }

// kernel: kernel.9.cloned.1.call-start
scs
__scs_entry_jumppad:
0x0: {  	(pc) =	sbr.rel $0x88, $3  }
0x1: {  	(tag) =	ssettag $0x0;
	lr =	simm.s32 $0x1  }
0x2: {  	[smem:$0x3F85] =	sst lr;
	_ =	strace $0xD0000000  }
0x3: {  	_ = 	snop  }
0x4: {  	_ = 	snop  }
0x5: {  	_ = 	snop  }
0x6: {  	_ = 	snop  }
0x7: {  	_ = 	snop  }
__scs_overlays_trampoline_lowered:
0x8: {  	[smem:$0x3F94] =	sst s0  }
0x9: {  	[smem:$0x3F95] =	sst s1  }
0xa: {  	[smem:$0x3F96] =	sst s2  }
0xb: {  	[smem:$0x3F97] =	sst s3  }
0xc: {  	[smem:$0x3F98] =	sst s4  }
0xd: {  	[smem:$0x3F99] =	sst s5  }
0xe: {  	[smem:$0x3F9A] =	sst s6  }
0xf: {  	[smem:$0x3F9B] =	sst s7  }
0x10: {  	[smem:$0x3F9C] =	sst s8  }
0x11: {  	[smem:$0x3F9D] =	sst s9;
	s0 =	simm.s32 @!p0 $0x0  }
0x12: {  	s1 =	sld [smem:$0x3F83];
	s0 =	simm.s32 @p0 $0x1  }
0x13: {  	[smem:$0x3F9E] =	sst s0;
	s0 =	simm.s32 @!p1 $0x0  }
0x14: {  	s2 =	sld [smem:$0x3F82];
	s0 =	simm.s32 @p1 $0x1  }
0x15: {  	[smem:$0x3F9F] =	sst s0;
	s0 =	simm.s32 @!p2 $0x0  }
0x16: {  	s3 =	sld [smem:$0x3FDB];
	s0 =	simm.s32 @p2 $0x1  }
0x17: {  	s4 =	simm.s32 $0x1BF5;
	[smem:$0x3FA1] =	sst s0  }
0x18: {  	s0 =	sld [smem:$0x3F84];
	_ =	swait.ge [sflag:s4], $0x0  }
0x19: {  	s7 =	sld [smem:$0x3F85]  }
0x1a: {  	s8 =	sadd.s32 $0xFFFFE003, lr  }
0x1b: {  	s9 =	sadd.s32 $0xFFFFFEF7, lr;
	s5 =	simm.s32 $0xFFFFFFFF;
	p2 =	slt.u32 s8, $0xFFFFF086  }
0x1c: {  	p1 =	slt.u32 s9, $0xF7A;
	s5 =	simm.s32 @!p2 $0x0  }
0x1d: {  	s5 =	simm.s32 @p1 $0x1;
	p0 =	seq.s32 s7, s2  }
0x1e: {  	s7 =	smul.u32 @!p0 $0xF7A, s2;
	p2 =	seq.s32 @!p0 s5, $0x0  }
0x1f: {  	s9 =	smul.u32 $0xF7A, s1;
	s8 =	simm.s32 @!p0 $0x1BF5;
	p2 =	por !p2, p0  }
0x20: {  	[sflag:s8] =	ssyncset.s32 @!p0 $0xFFFFF086;
	s6 =	sadd.s32 @!p0 s3, s7;
	s7 =	simm.s32 @!p0 $0x108  }
0x21: {  	s3 =	sadd.s32 s3, s9;
	s6 =	sadd.s32 @!p0 $0x88, s6;
	s7 =	simm.s32 @p2 $0x1082  }
0x22: {  	[simem:s7], [sflag:s8] =	dma.local @!p0 [hbm:s6], $0xF7A  }
0x23: {  	s9 =	sor.u32 $0xD0000000, s2;
	s6 =	simm.s32 $0x108;
	_ =	swait.ge @!p0 [sflag:s8], $0x0  }
0x24: {  	s3 =	sadd.s32 $0x88, s3;
	s6 =	simm.s32 @!p1 $0x1082;
	[sflag:s4] =	ssyncset.s32 $0xFFFFF086  }
0x25: {  	[simem:s6], [sflag:s4] =	dma.local [hbm:s3], $0xF7A  }
0x26: {  	[smem:$0x3F85] =	sst s1;
	(tag) =	ssettag s2;
	_ =	strace s9  }
0x27: {  	s1 =	sld [smem:$0x3F95]  }
0x28: {  	s2 =	sld [smem:$0x3F96]  }
0x29: {  	s4 =	sld [smem:$0x3F98]  }
0x2a: {  	p0 =	seq.s32 s5, $0x0;
	s5 =	sld [smem:$0x3F99]  }
0x2b: {  	s6 =	sld [smem:$0x3F9A]  }
0x2c: {  	s7 =	sld [smem:$0x3F9B]  }
0x2d: {  	s3 =	simm.s32 $0x108;
	s8 =	sld [smem:$0x3F9C]  }
0x2e: {  	s3 =	simm.s32 @!p0 $0x1082;
	s9 =	sld [smem:$0x3F9D]  }
0x2f: {  	lr =	sadd.s32 s0, s3;
	s0 =	sld [smem:$0x3F94]  }
0x30: {  	s3 =	sld [smem:$0x3F97]  }
0x31: {  	[smem:$0x3FA0] =	sst s10  }
0x32: {  	s10 =	sld [smem:$0x3F9E];
	_ =	sdelay $0x3  }
0x33: {  	p0 =	seq.s32 s10, $0x1;
	s10 =	sld [smem:$0x3FA0];
	_ =	sdelay $0x3  }
0x34: {  	[smem:$0x3FA0] =	sst s10  }
0x35: {  	s10 =	sld [smem:$0x3F9F];
	_ =	sdelay $0x3  }
0x36: {  	p1 =	seq.s32 s10, $0x1;
	s10 =	sld [smem:$0x3FA0];
	_ =	sdelay $0x3  }
0x37: {  	[smem:$0x3FA0] =	sst s10  }
0x38: {  	s10 =	sld [smem:$0x3FA1]  }
0x39: {  	_ = 	snop;
	(pc) =	sbr.ind lr, $3  }
0x3a: {  	_ = 	snop  }
0x3b: {  	_ = 	snop  }
0x3c: {  	p2 =	seq.s32 s10, $0x1;
	s10 =	sld [smem:$0x3FA0]  }
0x3d: {  	_ =	shalt  }
0x3e: {  	_ =	shalt  }
0x3f: {  	_ =	shalt  }
0x40: {  	_ =	shalt  }
0x41: {  	_ =	shalt  }
0x42: {  	_ =	shalt  }
0x43: {  	_ =	shalt  }
0x44: {  	_ =	shalt  }
0x45: {  	_ =	shalt  }
0x46: {  	_ =	shalt  }
0x47: {  	_ =	shalt  }
0x48: {  	_ =	shalt  }
0x49: {  	_ =	shalt  }
0x4a: {  	_ =	shalt  }
0x4b: {  	_ =	shalt  }
0x4c: {  	_ =	shalt  }
0x4d: {  	_ =	shalt  }
0x4e: {  	_ =	shalt  }
0x4f: {  	_ =	shalt  }
0x50: {  	_ =	shalt  }
0x51: {  	_ =	shalt  }
0x52: {  	_ =	shalt  }
0x53: {  	_ =	shalt  }
0x54: {  	_ =	shalt  }
0x55: {  	_ =	shalt  }
0x56: {  	_ =	shalt  }
0x57: {  	_ =	shalt  }
0x58: {  	_ =	shalt  }
0x59: {  	_ =	shalt  }
0x5a: {  	_ =	shalt  }
0x5b: {  	_ =	shalt  }
0x5c: {  	_ =	shalt  }
0x5d: {  	_ =	shalt  }
0x5e: {  	_ =	shalt  }
0x5f: {  	_ =	shalt  }
0x60: {  	_ =	shalt  }
0x61: {  	_ =	shalt  }
0x62: {  	_ =	shalt  }
0x63: {  	_ =	shalt  }
0x64: {  	_ =	shalt  }
0x65: {  	_ =	shalt  }
0x66: {  	_ =	shalt  }
0x67: {  	_ =	shalt  }
0x68: {  	_ =	shalt  }
0x69: {  	_ =	shalt  }
0x6a: {  	_ =	shalt  }
0x6b: {  	_ =	shalt  }
0x6c: {  	_ =	shalt  }
0x6d: {  	_ =	shalt  }
0x6e: {  	_ =	shalt  }
0x6f: {  	_ =	shalt  }
0x70: {  	_ =	shalt  }
0x71: {  	_ =	shalt  }
0x72: {  	_ =	shalt  }
0x73: {  	_ =	shalt  }
0x74: {  	_ =	shalt  }
0x75: {  	_ =	shalt  }
0x76: {  	_ =	shalt  }
0x77: {  	_ =	shalt  }
0x78: {  	_ =	shalt  }
0x79: {  	_ =	shalt  }
0x7a: {  	_ =	shalt  }
0x7b: {  	_ =	shalt  }
0x7c: {  	_ =	shalt  }
0x7d: {  	_ =	shalt  }
0x7e: {  	_ =	shalt  }
0x7f: {  	_ =	shalt  }
0x80: {  	_ =	shalt  }
0x81: {  	_ =	shalt  }
0x82: {  	_ =	shalt  }
0x83: {  	_ =	shalt  }
0x84: {  	_ =	shalt  }
0x85: {  	_ =	shalt  }
0x86: {  	_ =	shalt  }
0x87: {  	_ =	shalt  }
.Lfunc_end0:
.L_simem_size_0:
called_computation_lowered:
.L_overlay_start_0:
0x88: {  	s2 =	sld [smem:$0x3FD9]  }
0x89: {  	s3 =	sld [smem:$0x3FFE];
	_ =	sdelay $0x1  }
0x8a: {  	s1 =	srdreg.scid  }
0x8b: {  	s0 =	sand.u32 $0x1, s1  }
0x8c: {  	s16 =	sshll.u32 s0, $0xA;
	s2 =	sadd.s32 s3, s2  }
0x8d: {  	s2 =	sadd.s32 s2, s16  }
0x8e: {  	[smem:$0x3FAC] =	sst s2  }
0x8f: {  	_ = 	snop  }
0x90: {  	(tm) =	ssettm $0x1  }
0x91: {  	s17 =	sld [smem:$0x3FFB];
	_ =	sdelay $0x3  }
0x92: {  	_ =	strace s17  }
0x93: {  	s2 =	sld [smem:$0x3FFC];
	_ =	sdelay $0x3  }
0x94: {  	_ =	strace s2  }
0x95: {  	s2 =	sld [smem:$0x3FFD];
	_ =	sdelay $0x3  }
0x96: {  	_ =	strace s2  }
0x97: {  	_ =	strace $0x8FFFFFFF  }
0x98: {  	s18 =	sld [smem:$0x3FDB];
	_ =	sdelay $0x1  }
0x99: {  	s19 =	simm.s32 $_scs_section_size  }
0x9a: {  	s4 =	simm.s32 $_size__tile_overlayer_lowered;
	s5 =	simm.s32 $_tile_overlayer_lowered  }
0x9b: {  	s22 =	simm.s32 $0x1BFF;
	s21 =	sshll.u32 s5, $0x1;
	s2 =	sadd.s32 s19, s18  }
0x9c: {  	s6 =	simm.s32 $0x0;
	s20 =	sshll.u32 s4, $0x1;
	s4 =	sadd.s32 s21, s2  }
0x9d: {  	[timem:s6], [sflag:s22] =	dma.local [hbm:s4], s20  }
0x9e: {  	_ =	swait.ge [sflag:s22], s20  }
0x9f: {  	s3 =	ssub.s32 $0x0, s20;
	[sflag:s22] =	ssyncset.done $0x0  }
0xa0: {  	[sflag:s22] =	ssyncadd.s32 s3;
	_ =	sdelay $0x1  }
0xa1: {  	s23 =	simm.s32 $0x1B8B  }
0xa2: {  	_ =	swait.ge [sflag:s23], $0x1  }
0xa3: {  	[sflag:s23] =	ssyncset.done $0x0  }
0xa4: {  	s25 =	simm.s32 $0x1B8E;
	s24 =	sld [smem:$0x3FFE];
	[sflag:s23] =	ssyncadd.s32 $0xFFFFFFFF  }
0xa5: {  	s26 =	simm.s32 $execute0_lowered;
	[smem:$0x3FD2] =	sst s25  }
0xa6: {  	s4 =	sshll.u32 s26, $0x1;
	_ =	strace $0x80000046;
	[dreg:$0x1] =	wrdreg $0xFFFFFFFF  }
0xa7: {  	s28 =	simm.s32 $_size_execute0_lowered;
	s2 =	sadd.s32 s2, s4;
	[dreg:$0x0] =	wrdreg $0x0  }
0xa8: {  	s4 =	sshll.u32 s28, $0x1;
	[dreg:$0x2] =	wrdreg s2  }
0xa9: {  	[dreg:$0x3] =	wrdreg s4  }
0xaa: {  	[dreg:$0x4] =	wrdreg $0xC0  }
0xab: {  	_ =	task [dreg:s6], $0x5FFFF  }
0xac: {  	[dreg:$0x1] =	wrdreg $0xFFFFFFFF  }
0xad: {  	[dreg:$0x0] =	wrdreg $0x60  }
0xae: {  	[dreg:$0x2] =	wrdreg s24  }
0xaf: {  	[dreg:$0x3] =	wrdreg $0xC0000  }
0xb0: {  	[dreg:$0x4] =	wrdreg $0x9  }
0xb1: {  	_ =	task.clear_ibuf [dreg:s6], $0x5FFFF;
	_ =	strace $0x90000046  }
0xb2: {  	s29 =	simm.s32 $0x9;
	_ =	strace $0x80000048  }
0xb3: {  	_ =	swait.ge [sflag:s29], $0x1  }
0xb4: {  	[sflag:s29] =	ssyncadd.s32 $0xFFFFFFFF  }
0xb5: {  	_ =	strace $0x90000048  }
0xb6: {  	_ =	sfence  }
0xb7: {  	s30 =	sld [smem:$0x0];
	_ =	sdelay $0x2  }
0xb8: {  	s31 =	sshll.u32 s1, $0xD;
	s1 =	sshrl.u32 s1, $0x2  }
0xb9: {  	s3 =	sand.u32 $0x4000, s31;
	s1 =	sadd.s32 s1, s30  }
0xba: {  	s0 =	sor.u32 s3, s0;
	s1 =	sshll.u32 s1, $0x11  }
0xbb: {  	s0 =	sor.u32 s1, s0  }
0xbc: {  	s0 =	sadd.s32 $0x8F2B, s0  }
0xbd: {  	[sflag:s0] =	ssyncadd.remote.s32 $0x1  }
0xbe: {  	_ =	sfence.sel $0xFFFF  }
0xbf: {  	[dreg:$0x0] =	wrdreg $0xFFFFFFFF;
	(pc) =	sbr.abs _section_cstart, $3  }
0xc0: {  	[dreg:$0x1] =	wrdreg $0xFFFFFFFF  }
0xc1: {  	_ =	task.clear_ibuf [dreg:s6], $0x2FFFF;
	_ =	strace $0x9FFFFFFF  }
0xc2: {  	(tm) =	ssettm $0x7FFFFFFF  }
0xc3: {  	_ =	shalt  }
tec
execute0_lowered:
.L_overlay_start_1:
0x0: {  	(tag) =	ssettag $0x1  }
0x1: {  	s5 =	rddreg [dreg:$0x0]  }
0x2: {  	s0 =	srdreg.scid;
	s2 =	rddreg [dreg:$0x1]  }
0x3: {  	s1 =	rddreg [dreg:$0x2];
	s3 =	simm.s32 $0x0;
	s13 =	simm.s32 $0xA000  }
0x4: {  	s14 =	simm.s32 $0xB000;
	s17 =	simm.s32 $0x1;
	s4 =	sand.u32 $0x1, s0  }
0x5: {  	s18 =	simm.s32 $0x2;
	s0 =	stileid.u32;
	s6 =	smul.u32 $0x9C40, s4  }
0x6: {  	s19 =	simm.s32 $0x9F00;
	s20 =	simm.s32 $0x9F80;
	s7 =	smul.u32 $0x9E00, s0  }
0x7: {  	s21 =	simm.s32 $0x0;
	[smem:$0x7FF] =	sst s3;
	s8 =	smul.u32 $0x9E000, s4  }
0x8: {  	s9 =	smul.u32 $0xA00, s0;
	_ =	strace $0x80000047;
	s30 =	ssub.s32 $0x2, s4  }
0x9: {  	s4 =	sadd.s32 $0x17A00, s5;
	s15 =	sshll.u32 s0, $0x6;
	s31 =	sshrl.u32 s30, $0x1  }
0xa: {  	s15 =	sor.u32 $0x1C03, s15;
	s10 =	sadd.s32 s6, s5;
	s28 =	sadd.s32 s7, s8  }
0xb: {  	s29 =	sadd.s32 s9, s5;
	s9 =	ssub.s32 s30, s31;
	s12 =	sshrl.u32 s7, $0x1  }
0xc: {  	s6 =	sshrl.u32 s28, $0x4;
	s7 =	sadd.s32 $0x4000, s10;
	s16 =	sadd.s32 s12, s2  }
0xd: {  	s9 =	smax.u32 s9, $0x1;
	s10 =	simm.s32 $0x3;
	s12 =	simm.s32 $0x80  }
0xe: {  	s11 =	sadd.s32 s6, s5;
	s5 =	sadd.s32 $0x22400, s29;
	s6 =	sadd.s32 $0x18400, s29  }
0xf: {  	s16 =	sshrl.u32 s16, $0x3;
	s8 =	sadd.s32 $0x2C400, s11;
	s11 =	simm.s32 $0x5000  }
.LBB2_1:
0x10: {  	[tilespmem:s3], [sflag:$0x3] =	stream.linear.gather [hbm4b:s5+s3], $0x5000, $0x38;
	[tilespmem:$0x10F00] =	vst v63  }
0x11: {  	_ =	swait.ge [sflag:s10], $0x5000  }
0x12: {  	[sflag:s10] =	ssyncset.done $0x0  }
0x13: {  	[sflag:s10] =	ssyncadd.s32 $0xFFFFB000  }
0x14: {  	[tilespmem:s11], [sflag:$0x3] =	stream.linear.gather [hbm4b:s6+s3], $0x5000, $0x38;
	[tilespmem:$0x10F00] =	vst v63  }
0x15: {  	_ =	swait.ge [sflag:s10], $0x5000  }
0x16: {  	[sflag:s10] =	ssyncset.done $0x0  }
0x17: {  	[sflag:s10] =	ssyncadd.s32 $0xFFFFB000  }
0x18: {  	[tilespmem:s13], [sflag:$0x1] =	stream.indirect.gather [hbm4b:s7+s12], $0x20, s3, s12, $0xb8;
	[tilespmem:$0x10F00] =	vst v63  }
0x19: {  	_ = 	snop  }
0x1a: {  	[tilespmem:s14], [sflag:$0x2] =	stream.indirect.gather [hbm4b:s7+s12], $0x20, s12, s12, $0xb8;
	[tilespmem:$0x10F00] =	vst v63  }
0x1b: {  	[spmem:s16], [sflag:s15] =	dma.local [hbm:s4], $0x9E0  }
0x1c: {  	_ =	swait.ge [sflag:s10], $0x9E0  }
0x1d: {  	[sflag:s10] =	ssyncset.done $0x0  }
0x1e: {  	[sflag:s10] =	ssyncadd.s32 $0xFFFFF620  }
0x1f: {  	[bflag:$0x0] =	sbarrier.arrive $0xFFFF  }
0x20: {  	_ =	swait.ge [sflag:s17], $0x1000  }
0x21: {  	[sflag:s17] =	ssyncset.done $0x0  }
0x22: {  	s22 =	simm.s32 $0x5000;
	[sflag:s17] =	ssyncadd.s32 $0xFFFFF000  }
0x23: {  	[spmem:s2] =	stream.indirect.scatter.add.bf16 [tilespmem:s13], [sflag:$0x3], $0x20, s22, s12, $0xb8;
	[tilespmem:$0x10F00] =	vst v63  }
0x24: {  	_ =	swait.ge [sflag:s10], $0x1000  }
0x25: {  	[sflag:s10] =	ssyncset.done $0x0  }
0x26: {  	s30 =	simm.s32 $0x100;
	[sflag:s10] =	ssyncadd.s32 $0xFFFFF000  }
0x27: {  	[tilespmem:s13], [sflag:$0x1] =	stream.indirect.gather [hbm4b:s7+s12], $0x20, s30, s12, $0xb8;
	[tilespmem:$0x10F00] =	vst v63  }
0x28: {  	_ =	swait.ge [sflag:s18], $0x1000  }
0x29: {  	[sflag:s18] =	ssyncset.done $0x0  }
0x2a: {  	s31 =	simm.s32 $0x5080;
	[sflag:s18] =	ssyncadd.s32 $0xFFFFF000  }
0x2b: {  	[spmem:s2] =	stream.indirect.scatter.add.bf16 [tilespmem:s14], [sflag:$0x3], $0x20, s31, s12, $0xb8;
	[tilespmem:$0x10F00] =	vst v63  }
0x2c: {  	_ =	swait.ge [sflag:s10], $0x1000  }
0x2d: {  	[sflag:s10] =	ssyncset.done $0x0  }
0x2e: {  	s23 =	simm.s32 $0x180;
	s22 =	simm.s32 $0x400;
	[sflag:s10] =	ssyncadd.s32 $0xFFFFF000  }
.LBB2_2:
0x2f: {  	[tilespmem:s14], [sflag:$0x2] =	stream.indirect.gather [hbm4b:s7+s12], $0x20, s23, s12, $0xb8;
	[tilespmem:$0x10F00] =	vst v63  }
0x30: {  	s23 =	smov.u32 s22  }
0x31: {  	p0 =	sne.s32 s22, $0x13800;
	s22 =	sadd.s32 $0x400, s22;
	_ =	swait.ge [sflag:s17], $0x1000  }
0x32: {  	s23 =	sshra.s32 s23, $0x2;
	[sflag:s17] =	ssyncset.done $0x0  }
0x33: {  	s24 =	sadd.s32 $0x5000, s23;
	[sflag:s17] =	ssyncadd.s32 $0xFFFFF000  }
0x34: {  	[spmem:s2] =	stream.indirect.scatter.add.bf16 [tilespmem:s13], [sflag:$0x3], $0x20, s24, s12, $0xb8;
	[tilespmem:$0x10F00] =	vst v63  }
0x35: {  	_ =	swait.ge [sflag:s10], $0x1000  }
0x36: {  	[sflag:s10] =	ssyncset.done $0x0  }
0x37: {  	s24 =	sadd.s32 $0x100, s23;
	[sflag:s10] =	ssyncadd.s32 $0xFFFFF000  }
0x38: {  	[tilespmem:s13], [sflag:$0x1] =	stream.indirect.gather [hbm4b:s7+s12], $0x20, s24, s12, $0xb8;
	[tilespmem:$0x10F00] =	vst v63  }
0x39: {  	_ =	swait.ge [sflag:s18], $0x1000  }
0x3a: {  	[sflag:s18] =	ssyncset.done $0x0  }
.Ltmp0:
0x3b: {  	s24 =	sadd.s32 $0x5080, s23;
	[sflag:s18] =	ssyncadd.s32 $0xFFFFF000;
	(pc) =	sbr.rel @p0 .LBB2_2-.Ltmp0, $4  }
0x3c: {  	[spmem:s2] =	stream.indirect.scatter.add.bf16 [tilespmem:s14], [sflag:$0x3], $0x20, s24, s12, $0xb8;
	[tilespmem:$0x10F00] =	vst v63  }
0x3d: {  	_ =	swait.ge [sflag:s10], $0x1000  }
0x3e: {  	[sflag:s10] =	ssyncset.done $0x0  }
0x3f: {  	s23 =	sadd.s32 $0x180, s23;
	[sflag:s10] =	ssyncadd.s32 $0xFFFFF000  }
0x40: {  	[tilespmem:s14], [sflag:$0x2] =	stream.indirect.gather [hbm4b:s7+s12], $0x20, s23, s12, $0xb8;
	[tilespmem:$0x10F00] =	vst v63  }
0x41: {  	_ =	swait.ge [sflag:s17], $0x1000  }
0x42: {  	[sflag:s17] =	ssyncset.done $0x0  }
0x43: {  	[sflag:s17] =	ssyncadd.s32 $0xFFFFF000  }
0x44: {  	[spmem:s2] =	stream.indirect.scatter.add.bf16 [tilespmem:s13], [sflag:$0x3], $0x20, s19, s12, $0xb8;
	[tilespmem:$0x10F00] =	vst v63  }
0x45: {  	_ =	swait.ge [sflag:s10], $0x1000  }
0x46: {  	[sflag:s10] =	ssyncset.done $0x0  }
0x47: {  	[sflag:s10] =	ssyncadd.s32 $0xFFFFF000  }
0x48: {  	_ =	swait.ge [sflag:s18], $0x1000  }
0x49: {  	[sflag:s18] =	ssyncset.done $0x0  }
0x4a: {  	[sflag:s18] =	ssyncadd.s32 $0xFFFFF000  }
0x4b: {  	[spmem:s2] =	stream.indirect.scatter.add.bf16 [tilespmem:s14], [sflag:$0x3], $0x20, s20, s12, $0xb8;
	[tilespmem:$0x10F00] =	vst v63  }
0x4c: {  	_ =	swait.ge [sflag:s10], $0x1000  }
0x4d: {  	s21 =	sadd.s32 $0x1, s21;
	[sflag:s10] =	ssyncset.done $0x0  }
0x4e: {  	p0 =	sne.s32 s21, s9;
	[sflag:s10] =	ssyncadd.s32 $0xFFFFF000  }
.Ltmp1:
0x4f: {  	[bflag:$0x0] =	sbarrier.arrive $0xFFFF;
	(pc) =	sbr.rel @p0 .LBB2_1-.Ltmp1, $4  }
0x50: {  	[hbm:s8], [sflag:s15] =	dma.local [spmem:s16], $0x9E0  }
0x51: {  	_ =	swait.ge [sflag:s10], $0x9E0  }
0x52: {  	[sflag:s10] =	ssyncset.done $0x0  }
0x53: {  	[sflag:s10] =	ssyncadd.s32 $0xFFFFF620  }
0x54: {  	_ =	sfence.sel $0x180000  }
0x55: {  	[bflag:$0x0] =	sbarrier.arrive $0xFFFF  }
0x56: {  	p0 =	sne.s32 s0, $0x0;
	_ =	strace $0x90000047  }
0x57: {  	s0 =	sadd.s32 @!p0 $0x100000, s1;
	[bflag:$0x2] =	sbarrier.arrive $0xFFFF  }
0x58: {  	[sflag:s0] =	ssyncadd.tile.s32 @!p0 $0x1;
	_ =	shalt  }
.Lfunc_end2:
_tile_overlayer_lowered:
.L_overlay_start_2:
0x59: {  	(tag) =	ssettag $0x2  }
0x5a: {  	s0 =	rddreg [dreg:$0x0];
	s2 =	stileid.u32  }
0x5b: {  	s1 =	rddreg [dreg:$0x1];
	p0 =	sne.s32 s2, $0x0  }
0x5c: {  	s3 =	rddreg [dreg:$0x2];
	[bflag:$0x3] =	sbarrier.arrive $0xFFFF;
	s2 =	simm.s32 @!p0 $0x1C03  }
0x5d: {  	[timem:s3], [sflag:s2] =	dma.local @!p0 [hbm:s0], s1  }
0x5e: {  	s0 =	simm.s32 @!p0 $0x3  }
0x5f: {  	_ =	swait.ge @!p0 [sflag:s0], s1  }
0x60: {  	s1 =	ssub.s32 @!p0 $0x0, s1;
	[sflag:s0] =	ssyncset.done @!p0 $0x0  }
0x61: {  	[sflag:s0] =	ssyncadd.s32 @!p0 s1  }
0x62: {  	[bflag:$0x3] =	sbarrier.arrive $0xFFFF  }
0x63: {  	_ =	shalt  }

</sc_bundles>
